<compile_context>
chip_gen: v7x
topology: tpu7x:2x2x1
jax: 0.10.2.dev20260603
libtpu: 0.0.44.dev20260713+nightly
codegen_flags: <defaults>
</compile_context>

<pallas_src>
import functools

import jax
import jax.numpy as jnp
from jax import lax
from jax.experimental import pallas as pl
from jax.experimental.pallas import tpu as pltpu
from jax.experimental.pallas import tpu_sc as plsc

NC = 2
NS = 16
L = 16
K = 128


def _sc_tanh(z):
    a = jnp.abs(z)
    e = jnp.exp(a * -2.0)
    return jnp.sign(z) * ((1.0 - e) / (1.0 + e))


def _tc_node_pre(x, Wm_x, Wue_s, b_msg, *, blk):
    n, d = x.shape
    grid = n // blk

    def body(x_ref, wmx_ref, wues_ref, bm_ref, px_ref, qa_ref):
        xb = x_ref[...]
        px_ref[...] = (
            jnp.dot(xb, wmx_ref[...], preferred_element_type=jnp.float32)
            + bm_ref[...][None, :]
        )
        qa_ref[...] = jnp.dot(xb, wues_ref[...], preferred_element_type=jnp.float32)

    return pl.pallas_call(
        body,
        grid=(grid,),
        in_specs=[
            pl.BlockSpec((blk, d), lambda i: (i, 0)),
            pl.BlockSpec(Wm_x.shape, lambda i: (0, 0)),
            pl.BlockSpec(Wue_s.shape, lambda i: (0, 0)),
            pl.BlockSpec(b_msg.shape, lambda i: (0,)),
        ],
        out_specs=[
            pl.BlockSpec((blk, Wm_x.shape[1]), lambda i: (i, 0)),
            pl.BlockSpec((blk, Wue_s.shape[1]), lambda i: (i, 0)),
        ],
        out_shape=[
            jax.ShapeDtypeStruct((n, Wm_x.shape[1]), jnp.float32),
            jax.ShapeDtypeStruct((n, Wue_s.shape[1]), jnp.float32),
        ],
    )(x, Wm_x, Wue_s, b_msg)


def _tc_edge_pre(ea, Wm_e, Wue_e, b_ue, *, blk):
    e, de = ea.shape
    grid = e // blk

    def body(ea_ref, wme_ref, wuee_ref, bue_ref, pe_ref, pe2_ref):
        eb = ea_ref[...]
        pe_ref[...] = jnp.dot(eb, wme_ref[...], preferred_element_type=jnp.float32)
        pe2_ref[...] = (
            jnp.dot(eb, wuee_ref[...], preferred_element_type=jnp.float32)
            + bue_ref[...][None, :]
        )

    return pl.pallas_call(
        body,
        grid=(grid,),
        in_specs=[
            pl.BlockSpec((blk, de), lambda i: (i, 0)),
            pl.BlockSpec(Wm_e.shape, lambda i: (0, 0)),
            pl.BlockSpec(Wue_e.shape, lambda i: (0, 0)),
            pl.BlockSpec(b_ue.shape, lambda i: (0,)),
        ],
        out_specs=[
            pl.BlockSpec((blk, Wm_e.shape[1]), lambda i: (i, 0)),
            pl.BlockSpec((blk, Wue_e.shape[1]), lambda i: (i, 0)),
        ],
        out_shape=[
            jax.ShapeDtypeStruct((e, Wm_e.shape[1]), jnp.float32),
            jax.ShapeDtypeStruct((e, Wue_e.shape[1]), jnp.float32),
        ],
    )(ea, Wm_e, Wue_e, b_ue)


def _sc_aggregate(px, pe, src, dst):
    n, d = px.shape
    e = src.shape[0]
    nblk = e // K
    zc = 80
    nzc = n // zc
    mesh = plsc.VectorSubcoreMesh(core_axis_name="c", subcore_axis_name="s")

    @functools.partial(
        pl.kernel,
        out_type=[
            jax.ShapeDtypeStruct((NC, n, d), jnp.float32),
            jax.ShapeDtypeStruct((NC * NS * n,), jnp.float32),
        ],
        mesh=mesh,
        scratch_types=[
            pltpu.VMEM((K,), jnp.int32),
            pltpu.VMEM((K,), jnp.int32),
            pltpu.VMEM((K, d), jnp.float32),
            pltpu.VMEM((K, d), jnp.float32),
            pltpu.VMEM((n,), jnp.float32),
            pltpu.VMEM_SHARED((n, d), jnp.float32),
            pltpu.SemaphoreType.DMA,
            pltpu.SemaphoreType.DMA,
            pltpu.SemaphoreType.DMA,
            pltpu.SemaphoreType.DMA,
        ],
        compiler_params=pltpu.CompilerParams(
            needs_layout_passes=False, use_tc_tiling_on_sc=False
        ),
    )
    def run(px_hbm, pe_hbm, src_hbm, dst_hbm, out_hbm, cnt_hbm,
            sidx, didx, rows, pev, cnt, acc, s_si, s_di, s_pe, s_g):
        cid = lax.axis_index("c")
        sid = lax.axis_index("s")
        wid = sid * NC + cid

        zeros = jnp.zeros((L,), jnp.float32)
        ones = jnp.ones((L,), jnp.float32)

        @pl.loop(0, n // L)
        def _(i):
            cnt[pl.ds(i * L, L)] = zeros

        @pl.loop(0, K)
        def _(r):
            for c in range(d // L):
                rows[r, pl.ds(c * L, L)] = zeros

        @pl.loop(sid, nzc, step=NS)
        def _(j):
            pltpu.sync_copy(rows.at[pl.ds(0, zc)], acc.at[pl.ds(j * zc, zc)])

        plsc.subcore_barrier()

        @pl.loop(wid, nblk, step=NC * NS)
        def _(b):
            base = b * K
            a_si = pltpu.async_copy(src_hbm.at[pl.ds(base, K)], sidx, s_si)
            a_di = pltpu.async_copy(dst_hbm.at[pl.ds(base, K)], didx, s_di)
            a_pe = pltpu.async_copy(pe_hbm.at[pl.ds(base, K), :], pev, s_pe)
            a_si.wait()
            a_g = pltpu.async_copy(px_hbm.at[sidx], rows, s_g)
            a_di.wait()

            for c in range(K // L):
                idxv = didx[pl.ds(c * L, L)]
                plsc.addupdate_scatter(cnt, [idxv], ones)

            a_pe.wait()
            a_g.wait()

            @pl.loop(0, K)
            def _(r):
                for c in range(d // L):
                    z = rows[r, pl.ds(c * L, L)] + pev[r, pl.ds(c * L, L)]
                    rows[r, pl.ds(c * L, L)] = _sc_tanh(z)

            pltpu.sync_copy(rows, acc.at[didx], add=True)

        plsc.subcore_barrier()

        @pl.loop(sid, nzc, step=NS)
        def _(j):
            r0 = j * zc
            pltpu.sync_copy(acc.at[pl.ds(r0, zc)], out_hbm.at[cid, pl.ds(r0, zc), :])

        pltpu.sync_copy(cnt, cnt_hbm.at[pl.ds(wid * n, n)])

    return run(px, pe, src, dst)


def _tc_node_update(acc, cnts, x, Wu_n, Wu_x, b_un, Wue_d, *, blk):
    n, d = x.shape
    grid = n // blk
    nw = cnts.shape[1]

    def body(acc_ref, cnt_ref, x_ref, wun_ref, wux_ref, bun_ref, wued_ref,
             h_ref, qb_ref):
        a = acc_ref[0] + acc_ref[1]
        cnt = jnp.maximum(jnp.sum(cnt_ref[...], axis=1), 1.0)[:, None]
        neigh = a / cnt
        h = jnp.tanh(
            jnp.dot(neigh, wun_ref[...], preferred_element_type=jnp.float32)
            + jnp.dot(x_ref[...], wux_ref[...], preferred_element_type=jnp.float32)
            + bun_ref[...][None, :]
        )
        h_ref[...] = h
        qb_ref[...] = jnp.dot(h, wued_ref[...], preferred_element_type=jnp.float32)

    return pl.pallas_call(
        body,
        grid=(grid,),
        in_specs=[
            pl.BlockSpec((NC, blk, d), lambda i: (0, i, 0)),
            pl.BlockSpec((blk, nw), lambda i: (i, 0)),
            pl.BlockSpec((blk, d), lambda i: (i, 0)),
            pl.BlockSpec(Wu_n.shape, lambda i: (0, 0)),
            pl.BlockSpec(Wu_x.shape, lambda i: (0, 0)),
            pl.BlockSpec(b_un.shape, lambda i: (0,)),
            pl.BlockSpec(Wue_d.shape, lambda i: (0, 0)),
        ],
        out_specs=[
            pl.BlockSpec((blk, Wu_n.shape[1]), lambda i: (i, 0)),
            pl.BlockSpec((blk, Wue_d.shape[1]), lambda i: (i, 0)),
        ],
        out_shape=[
            jax.ShapeDtypeStruct((n, Wu_n.shape[1]), jnp.float32),
            jax.ShapeDtypeStruct((n, Wue_d.shape[1]), jnp.float32),
        ],
    )(acc, cnts, x, Wu_n, Wu_x, b_un, Wue_d)


def _sc_edge_out(qa, qb, pe2, src, dst):
    n, de = qa.shape
    e = src.shape[0]
    nblk = e // K
    mesh = plsc.VectorSubcoreMesh(core_axis_name="c", subcore_axis_name="s")

    @functools.partial(
        pl.kernel,
        out_type=jax.ShapeDtypeStruct((e, de), jnp.float32),
        mesh=mesh,
        scratch_types=[
            pltpu.VMEM((K,), jnp.int32),
            pltpu.VMEM((K,), jnp.int32),
            pltpu.VMEM((K, de), jnp.float32),
            pltpu.VMEM((K, de), jnp.float32),
            pltpu.VMEM((K, de), jnp.float32),
            pltpu.VMEM((K, de), jnp.float32),
            pltpu.SemaphoreType.DMA,
            pltpu.SemaphoreType.DMA,
            pltpu.SemaphoreType.DMA,
            pltpu.SemaphoreType.DMA,
            pltpu.SemaphoreType.DMA,
        ],
        compiler_params=pltpu.CompilerParams(
            needs_layout_passes=False, use_tc_tiling_on_sc=False
        ),
    )
    def run(qa_hbm, qb_hbm, pe2_hbm, src_hbm, dst_hbm, out_hbm,
            sidx, didx, qav, qbv, pev, ev, s_si, s_di, s_pe, s_ga, s_gb):
        cid = lax.axis_index("c")
        sid = lax.axis_index("s")
        wid = sid * NC + cid

        @pl.loop(wid, nblk, step=NC * NS)
        def _(b):
            base = b * K
            a_si = pltpu.async_copy(src_hbm.at[pl.ds(base, K)], sidx, s_si)
            a_di = pltpu.async_copy(dst_hbm.at[pl.ds(base, K)], didx, s_di)
            a_pe = pltpu.async_copy(pe2_hbm.at[pl.ds(base, K), :], pev, s_pe)
            a_si.wait()
            a_ga = pltpu.async_copy(qa_hbm.at[sidx], qav, s_ga)
            a_di.wait()
            a_gb = pltpu.async_copy(qb_hbm.at[didx], qbv, s_gb)
            a_pe.wait()
            a_ga.wait()
            a_gb.wait()

            @pl.loop(0, K)
            def _(r):
                z = qav[r, :] + qbv[r, :] + pev[r, :]
                ev[r, :] = _sc_tanh(z)

            pltpu.sync_copy(ev, out_hbm.at[pl.ds(base, K), :])

    return run(qa, qb, pe2, src, dst)


def kernel(x, edge_index, edge_attr, W_msg, b_msg, W_un, b_un, W_ue, b_ue):
    n, d_in = x.shape
    e, d_e = edge_attr.shape
    d_out = W_msg.shape[1]

    src = edge_index[0]
    dst = edge_index[1]

    Wm_x = W_msg[:d_in]
    Wm_e = W_msg[d_in:]
    Wu_n = W_un[:d_out]
    Wu_x = W_un[d_out:]
    Wue_s = W_ue[:d_in]
    Wue_d = W_ue[d_in : d_in + d_out]
    Wue_e = W_ue[d_in + d_out :]

    px, qa = _tc_node_pre(x, Wm_x, Wue_s, b_msg, blk=1000)
    pe, pe2 = _tc_edge_pre(edge_attr, Wm_e, Wue_e, b_ue, blk=8000)
    acc, cnt_flat = _sc_aggregate(px, pe, src, dst)
    cnts = cnt_flat.reshape(NC * NS, n).T
    h, qb = _tc_node_update(acc, cnts, x, Wu_n, Wu_x, b_un, Wue_d, blk=1000)
    e_out = _sc_edge_out(qa, qb, pe2, src, dst)
    return (h, e_out)

# --- scband reference (transcript-rebuilt; emitter-appended) ---
"""Pipeline reference for scband-esageconv-26070451487319 (READ-ONLY COPY).

The authoritative reference and input builder live on the scoring server;
editing this copy changes nothing except your own understanding.
"""

import jax, jax.numpy as jnp
import numpy as np

N = 10000
E = 320000
D_IN = 128
D_E = 16
D_OUT = 128
D_EOUT = 16


def _xavier(key, fan_in, fan_out):
    std = float(np.sqrt(2.0 / (fan_in + fan_out)))
    return jax.random.normal(key, (fan_in, fan_out), dtype=jnp.float32) * std


def setup_inputs(seed: int = 0) -> dict:
    key = jax.random.key(seed)
    ks = jax.random.split(key, 10)
    x = jax.random.normal(ks[0], (N, D_IN), dtype=jnp.float32)
    edge_index = jax.random.randint(ks[1], (2, E), 0, N, dtype=jnp.int32)
    edge_attr = jax.random.normal(ks[2], (E, D_E), dtype=jnp.float32)
    # message_lin: (n_in + e_in) -> n_out
    W_msg = _xavier(ks[3], D_IN + D_E, D_OUT)
    b_msg = jnp.zeros((D_OUT,), dtype=jnp.float32)
    # update_node_lin: (n_in + n_out) -> n_out  (cat order: [neigh, h])
    W_un = _xavier(ks[4], D_OUT + D_IN, D_OUT)
    b_un = jnp.zeros((D_OUT,), dtype=jnp.float32)
    # update_edge_lin: (n_in + n_out + e_in) -> e_out (cat order: [src_h, dst_neigh, e_h])
    W_ue = _xavier(ks[5], D_IN + D_OUT + D_E, D_EOUT)
    b_ue = jnp.zeros((D_EOUT,), dtype=jnp.float32)
    return {"x": x, "edge_index": edge_index, "edge_attr": edge_attr,
            "W_msg": W_msg, "b_msg": b_msg,
            "W_un": W_un, "b_un": b_un,
            "W_ue": W_ue, "b_ue": b_ue}


def reference(x, edge_index, edge_attr, W_msg, b_msg, W_un, b_un, W_ue, b_ue):
    src = edge_index[0]
    dst = edge_index[1]
    # message_func: m_j = tanh(message_lin(cat([src_h, e_h])))
    h_src = jnp.take(x, src, axis=0)
    m = jnp.tanh(jnp.concatenate([h_src, edge_attr], axis=1) @ W_msg + b_msg)
    # dgl.function.mean('m','neigh'): per-dst-node mean of incoming messages
    neigh_sum = jax.ops.segment_sum(m, dst, num_segments=N)
    cnt = jax.ops.segment_sum(jnp.ones((E, 1), dtype=jnp.float32), dst, num_segments=N)
    neigh = neigh_sum / jnp.maximum(cnt, 1.0)
    # node update: h_neigh = tanh(update_node_lin(dropout(cat([neigh, h]))))
    # dropout in eval mode == identity
    h_neigh = jnp.tanh(jnp.concatenate([neigh, x], axis=1) @ W_un + b_un)
    # edge update uses UPDATED dst neigh: e = tanh(update_edge_lin(cat([src_h, dst_neigh, e_h])))
    dst_neigh = jnp.take(h_neigh, dst, axis=0)
    e_out = jnp.tanh(jnp.concatenate([h_src, dst_neigh, edge_attr], axis=1) @ W_ue + b_ue)
    return (h_neigh, e_out)

if __name__ == "__main__":
    import jax
    _d = setup_inputs()
    print(jax.jit(kernel)(*tuple(_d.values())))

</pallas_src>

<mosaic_0001>
#map = affine_map<(d0, d1) -> (0, 0)>
#map1 = affine_map<(d0, d1) -> (0)>
module attributes {stable_mosaic.version = 14 : i64} {
  func.func @run(%arg0: i32, %arg1: i32, %arg2: memref<10000x16xf32, #tpu.memory_space<hbm>>, %arg3: memref<10000x16xf32, #tpu.memory_space<hbm>>, %arg4: memref<320000x16xf32, #tpu.memory_space<hbm>>, %arg5: memref<320000xi32, #tpu.memory_space<hbm>>, %arg6: memref<320000xi32, #tpu.memory_space<hbm>>, %arg7: memref<320000x16xf32, #tpu.memory_space<hbm>>, %arg8: memref<128xi32, #tpu.memory_space<vmem>>, %arg9: memref<128xi32, #tpu.memory_space<vmem>>, %arg10: memref<128x16xf32, #tpu.memory_space<vmem>>, %arg11: memref<128x16xf32, #tpu.memory_space<vmem>>, %arg12: memref<128x16xf32, #tpu.memory_space<vmem>>, %arg13: memref<128x16xf32, #tpu.memory_space<vmem>>, %arg14: memref<!tpu.dma_semaphore, #tpu.memory_space<semaphore_mem>>, %arg15: memref<!tpu.dma_semaphore, #tpu.memory_space<semaphore_mem>>, %arg16: memref<!tpu.dma_semaphore, #tpu.memory_space<semaphore_mem>>, %arg17: memref<!tpu.dma_semaphore, #tpu.memory_space<semaphore_mem>>, %arg18: memref<!tpu.dma_semaphore, #tpu.memory_space<semaphore_mem>>) attributes {dimension_semantics = [#tpu.dimension_semantics<core_parallel>, #tpu.dimension_semantics<subcore_parallel>], iteration_bounds = array<i64: 2, 16>, scalar_prefetch = 0 : i64, scratch_operands = 11 : i64, tpu.core_type = #tpu.core_type<sc_vector_subcore>, window_params = [{transform_indices = #map}, {transform_indices = #map}, {transform_indices = #map}, {transform_indices = #map1}, {transform_indices = #map1}, {transform_indices = #map}]} {
    %mul3A = arith.constant 2 : i32
    %mul3A_0 = arith.muli %arg1, %mul3A : i32
    %add3A = arith.addi %mul3A_0, %arg0 : i32
    %sub3A = arith.constant 2500 : i32
    %sub3A_1 = arith.subi %sub3A, %add3A : i32
    %sub3A_2 = arith.constant 32 : i32
    %sub3A_3 = arith.constant 1 : i32
    %sub3A_4 = arith.subi %sub3A_2, %sub3A_3 : i32
    %add3A_5 = arith.addi %sub3A_1, %sub3A_4 : i32
    %div3A = arith.constant 32 : i32
    %div3A_6 = arith.divsi %add3A_5, %div3A : i32
    %while3A = arith.constant 32 : i32
    %while3A_7 = arith.constant 0 : i32
    %while3A_8 = arith.subi %div3A_6, %while3A_7 : i32
    %while3A_9 = arith.addi %while3A_7, %while3A_8 : i32
    %while3A_10 = arith.constant 1 : i32
    %while3A_11 = arith.divsi %while3A_8, %while3A_10 : i32
    %while3A_12 = arith.muli %while3A_11, %while3A_10 : i32
    %while3A_13 = arith.addi %while3A_7, %while3A_12 : i32
    %while3A_14 = arith.constant 1 : i32
    scf.for %while3A_16 = %while3A_7 to %while3A_13 step %while3A_14  : i32 {
      %mul3A_17 = arith.muli %while3A_16, %while3A : i32
      %add3A_18 = arith.addi %add3A, %mul3A_17 : i32
      %mul3A_19 = arith.constant 128 : i32
      %mul3A_20 = arith.muli %add3A_18, %mul3A_19 : i32
      %dma_start3A = tpu.memref_slice %arg5[%mul3A_20] : memref<320000xi32, #tpu.memory_space<hbm>> -> memref<128xi32, #tpu.memory_space<hbm>>
      %dma_start3A_21 = tpu.memref_slice %arg5[%mul3A_20] : memref<320000xi32, #tpu.memory_space<hbm>> -> memref<128xi32, #tpu.memory_space<hbm>>
      tpu.enqueue_dma source(%dma_start3A_21 : memref<128xi32, #tpu.memory_space<hbm>>) target(%arg8 : memref<128xi32, #tpu.memory_space<vmem>>) target_semaphore(%arg14 : memref<!tpu.dma_semaphore, #tpu.memory_space<semaphore_mem>>)
      %dma_start3A_22 = tpu.memref_slice %arg6[%mul3A_20] : memref<320000xi32, #tpu.memory_space<hbm>> -> memref<128xi32, #tpu.memory_space<hbm>>
      %dma_start3A_23 = tpu.memref_slice %arg6[%mul3A_20] : memref<320000xi32, #tpu.memory_space<hbm>> -> memref<128xi32, #tpu.memory_space<hbm>>
      tpu.enqueue_dma source(%dma_start3A_23 : memref<128xi32, #tpu.memory_space<hbm>>) target(%arg9 : memref<128xi32, #tpu.memory_space<vmem>>) target_semaphore(%arg15 : memref<!tpu.dma_semaphore, #tpu.memory_space<semaphore_mem>>)
      %dma_start3A_24 = arith.constant 0 : i32
      %dma_start3A_25 = tpu.memref_slice %arg4[%mul3A_20, %dma_start3A_24] : memref<320000x16xf32, #tpu.memory_space<hbm>> -> memref<128x16xf32, #tpu.memory_space<hbm>>
      %dma_start3A_26 = arith.constant 0 : i32
      %dma_start3A_27 = tpu.memref_slice %arg4[%mul3A_20, %dma_start3A_26] : memref<320000x16xf32, #tpu.memory_space<hbm>> -> memref<128x16xf32, #tpu.memory_space<hbm>>
      tpu.enqueue_dma source(%dma_start3A_27 : memref<128x16xf32, #tpu.memory_space<hbm>>) target(%arg12 : memref<128x16xf32, #tpu.memory_space<vmem>>) target_semaphore(%arg16 : memref<!tpu.dma_semaphore, #tpu.memory_space<semaphore_mem>>)
      %dma_wait3A = tpu.memref_slice %arg5[%mul3A_20] : memref<320000xi32, #tpu.memory_space<hbm>> -> memref<128xi32, #tpu.memory_space<hbm>>
      %dma_wait3A_28 = tpu.memref_slice %arg5[%mul3A_20] : memref<320000xi32, #tpu.memory_space<hbm>> -> memref<128xi32, #tpu.memory_space<hbm>>
      tpu.wait_dma2 semaphore(%arg14 : memref<!tpu.dma_semaphore, #tpu.memory_space<semaphore_mem>>) src(%dma_wait3A_28 : memref<128xi32, #tpu.memory_space<hbm>>) dst(%arg8 : memref<128xi32, #tpu.memory_space<vmem>>)
      %dma_start3A_29 = arith.constant 0 : i32
      %dma_start3A_30 = arith.constant 0 : i32
      %dma_start3A_31 = tpu.memref_slice %arg2[%dma_start3A_29, %dma_start3A_30] : memref<10000x16xf32, #tpu.memory_space<hbm>> -> memref<10000x16xf32, #tpu.memory_space<hbm>>
      tpu.enqueue_indirect_dma source(%dma_start3A_31 : memref<10000x16xf32, #tpu.memory_space<hbm>>) target(%arg10 : memref<128x16xf32, #tpu.memory_space<vmem>>) offsets(%arg8 : memref<128xi32, #tpu.memory_space<vmem>>) semaphore(%arg17 : memref<!tpu.dma_semaphore, #tpu.memory_space<semaphore_mem>>)
      %dma_wait3A_32 = tpu.memref_slice %arg6[%mul3A_20] : memref<320000xi32, #tpu.memory_space<hbm>> -> memref<128xi32, #tpu.memory_space<hbm>>
      %dma_wait3A_33 = tpu.memref_slice %arg6[%mul3A_20] : memref<320000xi32, #tpu.memory_space<hbm>> -> memref<128xi32, #tpu.memory_space<hbm>>
      tpu.wait_dma2 semaphore(%arg15 : memref<!tpu.dma_semaphore, #tpu.memory_space<semaphore_mem>>) src(%dma_wait3A_33 : memref<128xi32, #tpu.memory_space<hbm>>) dst(%arg9 : memref<128xi32, #tpu.memory_space<vmem>>)
      %dma_start3A_34 = arith.constant 0 : i32
      %dma_start3A_35 = arith.constant 0 : i32
      %dma_start3A_36 = tpu.memref_slice %arg3[%dma_start3A_34, %dma_start3A_35] : memref<10000x16xf32, #tpu.memory_space<hbm>> -> memref<10000x16xf32, #tpu.memory_space<hbm>>
      tpu.enqueue_indirect_dma source(%dma_start3A_36 : memref<10000x16xf32, #tpu.memory_space<hbm>>) target(%arg11 : memref<128x16xf32, #tpu.memory_space<vmem>>) offsets(%arg9 : memref<128xi32, #tpu.memory_space<vmem>>) semaphore(%arg18 : memref<!tpu.dma_semaphore, #tpu.memory_space<semaphore_mem>>)
      %dma_wait3A_37 = arith.constant 0 : i32
      %dma_wait3A_38 = tpu.memref_slice %arg4[%mul3A_20, %dma_wait3A_37] : memref<320000x16xf32, #tpu.memory_space<hbm>> -> memref<128x16xf32, #tpu.memory_space<hbm>>
      %dma_wait3A_39 = arith.constant 0 : i32
      %dma_wait3A_40 = tpu.memref_slice %arg4[%mul3A_20, %dma_wait3A_39] : memref<320000x16xf32, #tpu.memory_space<hbm>> -> memref<128x16xf32, #tpu.memory_space<hbm>>
      tpu.wait_dma2 semaphore(%arg16 : memref<!tpu.dma_semaphore, #tpu.memory_space<semaphore_mem>>) src(%dma_wait3A_40 : memref<128x16xf32, #tpu.memory_space<hbm>>) dst(%arg12 : memref<128x16xf32, #tpu.memory_space<vmem>>)
      %dma_wait3A_41 = arith.constant 0 : i32
      %dma_wait3A_42 = arith.constant 0 : i32
      %dma_wait3A_43 = tpu.memref_slice %arg2[%dma_wait3A_41, %dma_wait3A_42] : memref<10000x16xf32, #tpu.memory_space<hbm>> -> memref<10000x16xf32, #tpu.memory_space<hbm>>
      tpu.wait_indirect_dma semaphore(%arg17 : memref<!tpu.dma_semaphore, #tpu.memory_space<semaphore_mem>>) src(%dma_wait3A_43 : memref<10000x16xf32, #tpu.memory_space<hbm>>) dst(%arg10 : memref<128x16xf32, #tpu.memory_space<vmem>>)
      %dma_wait3A_44 = arith.constant 0 : i32
      %dma_wait3A_45 = arith.constant 0 : i32
      %dma_wait3A_46 = tpu.memref_slice %arg3[%dma_wait3A_44, %dma_wait3A_45] : memref<10000x16xf32, #tpu.memory_space<hbm>> -> memref<10000x16xf32, #tpu.memory_space<hbm>>
      tpu.wait_indirect_dma semaphore(%arg18 : memref<!tpu.dma_semaphore, #tpu.memory_space<semaphore_mem>>) src(%dma_wait3A_46 : memref<10000x16xf32, #tpu.memory_space<hbm>>) dst(%arg11 : memref<128x16xf32, #tpu.memory_space<vmem>>)
      %scan3A = arith.constant 0 : i32
      %scan3A_47 = arith.constant 128 : i32
      %scan3A_48 = arith.addi %scan3A, %scan3A_47 : i32
      %scan3A_49 = arith.constant 1 : i32
      scf.for %scan3A_51 = %scan3A to %scan3A_48 step %scan3A_49  : i32 {
        %mul3A_52 = arith.constant 1 : i32
        %mul3A_53 = arith.muli %scan3A_51, %mul3A_52 : i32
        %add3A_54 = arith.constant 0 : i32
        %add3A_55 = arith.addi %add3A_54, %mul3A_53 : i32
        %get3A = arith.index_cast %add3A_55 : i32 to index
        %get3A_56 = arith.constant 0 : index
        %get3A_57 = tpu.vector_load %arg10[%get3A, %get3A_56] {strides = array<i32>} : memref<128x16xf32, #tpu.memory_space<vmem>>, vector<16xf32>,
        %get3A_58 = arith.index_cast %add3A_55 : i32 to index
        %get3A_59 = arith.constant 0 : index
        %get3A_60 = tpu.vector_load %arg11[%get3A_58, %get3A_59] {strides = array<i32>} : memref<128x16xf32, #tpu.memory_space<vmem>>, vector<16xf32>,
        %add3A_61 = arith.addf %get3A_57, %get3A_60 : vector<16xf32>
        %get3A_62 = arith.index_cast %add3A_55 : i32 to index
        %get3A_63 = arith.constant 0 : index
        %get3A_64 = tpu.vector_load %arg12[%get3A_62, %get3A_63] {strides = array<i32>} : memref<128x16xf32, #tpu.memory_space<vmem>>, vector<16xf32>,
        %add3A_65 = arith.addf %add3A_61, %get3A_64 : vector<16xf32>
        %abs3A = math.absf %add3A_65 : vector<16xf32>
        %mul3A_66 = arith.constant -2.000000e+00 : f32
        %mul3A_67 = vector.broadcast %mul3A_66 : f32 to vector<16xf32>
        %mul3A_68 = arith.mulf %abs3A, %mul3A_67 : vector<16xf32>
        %exp3A = math.exp %mul3A_68 : vector<16xf32>
        %sign3A = tpu.bitcast %add3A_65 : vector<16xf32> -> vector<16xi32>
        %sign3A_69 = arith.constant -2147483648 : i32
        %sign3A_70 = vector.broadcast %sign3A_69 : i32 to vector<16xi32>
        %sign3A_71 = arith.andi %sign3A, %sign3A_70 : vector<16xi32>
        %sign3A_72 = arith.constant 1065353216 : i32
        %sign3A_73 = vector.broadcast %sign3A_72 : i32 to vector<16xi32>
        %sign3A_74 = arith.ori %sign3A_73, %sign3A_71 : vector<16xi32>
        %sign3A_75 = tpu.bitcast %sign3A_74 : vector<16xi32> -> vector<16xf32>
        %sign3A_76 = math.absf %add3A_65 : vector<16xf32>
        %sign3A_77 = arith.constant 0.000000e+00 : f32
        %sign3A_78 = vector.broadcast %sign3A_77 : f32 to vector<16xf32>
        %sign3A_79 = arith.cmpf ogt, %sign3A_76, %sign3A_78 : vector<16xf32>
        %sign3A_80 = arith.select %sign3A_79, %sign3A_75, %add3A_65 : vector<16xi1>, vector<16xf32>
        %sub3A_81 = arith.constant 1.000000e+00 : f32
        %sub3A_82 = vector.broadcast %sub3A_81 : f32 to vector<16xf32>
        %sub3A_83 = arith.subf %sub3A_82, %exp3A : vector<16xf32>
        %add3A_84 = arith.constant 1.000000e+00 : f32
        %add3A_85 = vector.broadcast %add3A_84 : f32 to vector<16xf32>
        %add3A_86 = arith.addf %add3A_85, %exp3A : vector<16xf32>
        %div3A_87 = arith.divf %sub3A_83, %add3A_86 : vector<16xf32>
        %mul3A_88 = arith.mulf %sign3A_80, %div3A_87 : vector<16xf32>
        %swap3A = arith.index_cast %add3A_55 : i32 to index
        %swap3A_89 = arith.constant 0 : index
        %swap3A_90 = tpu.vector_load %arg13[%swap3A, %swap3A_89] {strides = array<i32>} : memref<128x16xf32, #tpu.memory_space<vmem>>, vector<16xf32>,
        tpu.vector_store %arg13[%swap3A, %swap3A_89], %mul3A_88 {strides = array<i32>} : memref<128x16xf32, #tpu.memory_space<vmem>>, vector<16xf32>,
      }
      %scan3A_50 = arith.constant 128 : i32
      "tpu.region"() ({
        %run_scoped3A = tpu.sem_alloc : memref<!tpu.dma_semaphore, #tpu.memory_space<semaphore_mem>>
        %dma_start3A_51 = arith.constant 0 : i32
        %dma_start3A_52 = tpu.memref_slice %arg7[%mul3A_20, %dma_start3A_51] : memref<320000x16xf32, #tpu.memory_space<hbm>> -> memref<128x16xf32, #tpu.memory_space<hbm>>
        %dma_start3A_53 = arith.constant 0 : i32
        %dma_start3A_54 = tpu.memref_slice %arg7[%mul3A_20, %dma_start3A_53] : memref<320000x16xf32, #tpu.memory_space<hbm>> -> memref<128x16xf32, #tpu.memory_space<hbm>>
        tpu.enqueue_dma source(%arg13 : memref<128x16xf32, #tpu.memory_space<vmem>>) target(%dma_start3A_54 : memref<128x16xf32, #tpu.memory_space<hbm>>) target_semaphore(%run_scoped3A : memref<!tpu.dma_semaphore, #tpu.memory_space<semaphore_mem>>)
        %dma_wait3A_55 = arith.constant 0 : i32
        %dma_wait3A_56 = tpu.memref_slice %arg7[%mul3A_20, %dma_wait3A_55] : memref<320000x16xf32, #tpu.memory_space<hbm>> -> memref<128x16xf32, #tpu.memory_space<hbm>>
        %dma_wait3A_57 = arith.constant 0 : i32
        %dma_wait3A_58 = tpu.memref_slice %arg7[%mul3A_20, %dma_wait3A_57] : memref<320000x16xf32, #tpu.memory_space<hbm>> -> memref<128x16xf32, #tpu.memory_space<hbm>>
        tpu.wait_dma2 semaphore(%run_scoped3A : memref<!tpu.dma_semaphore, #tpu.memory_space<semaphore_mem>>) src(%arg13 : memref<128x16xf32, #tpu.memory_space<vmem>>) dst(%dma_wait3A_58 : memref<128x16xf32, #tpu.memory_space<hbm>>)
        tpu.yield
      }) : () -> ()
    }
    %while3A_15 = arith.constant 1 : i32
    scf.for %while3A_16 = %while3A_13 to %while3A_9 step %while3A_15  : i32 {
      %mul3A_17 = arith.muli %while3A_16, %while3A : i32
      %add3A_18 = arith.addi %add3A, %mul3A_17 : i32
      %mul3A_19 = arith.constant 128 : i32
      %mul3A_20 = arith.muli %add3A_18, %mul3A_19 : i32
      %dma_start3A = tpu.memref_slice %arg5[%mul3A_20] : memref<320000xi32, #tpu.memory_space<hbm>> -> memref<128xi32, #tpu.memory_space<hbm>>
      %dma_start3A_21 = tpu.memref_slice %arg5[%mul3A_20] : memref<320000xi32, #tpu.memory_space<hbm>> -> memref<128xi32, #tpu.memory_space<hbm>>
      tpu.enqueue_dma source(%dma_start3A_21 : memref<128xi32, #tpu.memory_space<hbm>>) target(%arg8 : memref<128xi32, #tpu.memory_space<vmem>>) target_semaphore(%arg14 : memref<!tpu.dma_semaphore, #tpu.memory_space<semaphore_mem>>)
      %dma_start3A_22 = tpu.memref_slice %arg6[%mul3A_20] : memref<320000xi32, #tpu.memory_space<hbm>> -> memref<128xi32, #tpu.memory_space<hbm>>
      %dma_start3A_23 = tpu.memref_slice %arg6[%mul3A_20] : memref<320000xi32, #tpu.memory_space<hbm>> -> memref<128xi32, #tpu.memory_space<hbm>>
      tpu.enqueue_dma source(%dma_start3A_23 : memref<128xi32, #tpu.memory_space<hbm>>) target(%arg9 : memref<128xi32, #tpu.memory_space<vmem>>) target_semaphore(%arg15 : memref<!tpu.dma_semaphore, #tpu.memory_space<semaphore_mem>>)
      %dma_start3A_24 = arith.constant 0 : i32
      %dma_start3A_25 = tpu.memref_slice %arg4[%mul3A_20, %dma_start3A_24] : memref<320000x16xf32, #tpu.memory_space<hbm>> -> memref<128x16xf32, #tpu.memory_space<hbm>>
      %dma_start3A_26 = arith.constant 0 : i32
      %dma_start3A_27 = tpu.memref_slice %arg4[%mul3A_20, %dma_start3A_26] : memref<320000x16xf32, #tpu.memory_space<hbm>> -> memref<128x16xf32, #tpu.memory_space<hbm>>
      tpu.enqueue_dma source(%dma_start3A_27 : memref<128x16xf32, #tpu.memory_space<hbm>>) target(%arg12 : memref<128x16xf32, #tpu.memory_space<vmem>>) target_semaphore(%arg16 : memref<!tpu.dma_semaphore, #tpu.memory_space<semaphore_mem>>)
      %dma_wait3A = tpu.memref_slice %arg5[%mul3A_20] : memref<320000xi32, #tpu.memory_space<hbm>> -> memref<128xi32, #tpu.memory_space<hbm>>
      %dma_wait3A_28 = tpu.memref_slice %arg5[%mul3A_20] : memref<320000xi32, #tpu.memory_space<hbm>> -> memref<128xi32, #tpu.memory_space<hbm>>
      tpu.wait_dma2 semaphore(%arg14 : memref<!tpu.dma_semaphore, #tpu.memory_space<semaphore_mem>>) src(%dma_wait3A_28 : memref<128xi32, #tpu.memory_space<hbm>>) dst(%arg8 : memref<128xi32, #tpu.memory_space<vmem>>)
      %dma_start3A_29 = arith.constant 0 : i32
      %dma_start3A_30 = arith.constant 0 : i32
      %dma_start3A_31 = tpu.memref_slice %arg2[%dma_start3A_29, %dma_start3A_30] : memref<10000x16xf32, #tpu.memory_space<hbm>> -> memref<10000x16xf32, #tpu.memory_space<hbm>>
      tpu.enqueue_indirect_dma source(%dma_start3A_31 : memref<10000x16xf32, #tpu.memory_space<hbm>>) target(%arg10 : memref<128x16xf32, #tpu.memory_space<vmem>>) offsets(%arg8 : memref<128xi32, #tpu.memory_space<vmem>>) semaphore(%arg17 : memref<!tpu.dma_semaphore, #tpu.memory_space<semaphore_mem>>)
      %dma_wait3A_32 = tpu.memref_slice %arg6[%mul3A_20] : memref<320000xi32, #tpu.memory_space<hbm>> -> memref<128xi32, #tpu.memory_space<hbm>>
      %dma_wait3A_33 = tpu.memref_slice %arg6[%mul3A_20] : memref<320000xi32, #tpu.memory_space<hbm>> -> memref<128xi32, #tpu.memory_space<hbm>>
      tpu.wait_dma2 semaphore(%arg15 : memref<!tpu.dma_semaphore, #tpu.memory_space<semaphore_mem>>) src(%dma_wait3A_33 : memref<128xi32, #tpu.memory_space<hbm>>) dst(%arg9 : memref<128xi32, #tpu.memory_space<vmem>>)
      %dma_start3A_34 = arith.constant 0 : i32
      %dma_start3A_35 = arith.constant 0 : i32
      %dma_start3A_36 = tpu.memref_slice %arg3[%dma_start3A_34, %dma_start3A_35] : memref<10000x16xf32, #tpu.memory_space<hbm>> -> memref<10000x16xf32, #tpu.memory_space<hbm>>
      tpu.enqueue_indirect_dma source(%dma_start3A_36 : memref<10000x16xf32, #tpu.memory_space<hbm>>) target(%arg11 : memref<128x16xf32, #tpu.memory_space<vmem>>) offsets(%arg9 : memref<128xi32, #tpu.memory_space<vmem>>) semaphore(%arg18 : memref<!tpu.dma_semaphore, #tpu.memory_space<semaphore_mem>>)
      %dma_wait3A_37 = arith.constant 0 : i32
      %dma_wait3A_38 = tpu.memref_slice %arg4[%mul3A_20, %dma_wait3A_37] : memref<320000x16xf32, #tpu.memory_space<hbm>> -> memref<128x16xf32, #tpu.memory_space<hbm>>
      %dma_wait3A_39 = arith.constant 0 : i32
      %dma_wait3A_40 = tpu.memref_slice %arg4[%mul3A_20, %dma_wait3A_39] : memref<320000x16xf32, #tpu.memory_space<hbm>> -> memref<128x16xf32, #tpu.memory_space<hbm>>
      tpu.wait_dma2 semaphore(%arg16 : memref<!tpu.dma_semaphore, #tpu.memory_space<semaphore_mem>>) src(%dma_wait3A_40 : memref<128x16xf32, #tpu.memory_space<hbm>>) dst(%arg12 : memref<128x16xf32, #tpu.memory_space<vmem>>)
      %dma_wait3A_41 = arith.constant 0 : i32
      %dma_wait3A_42 = arith.constant 0 : i32
      %dma_wait3A_43 = tpu.memref_slice %arg2[%dma_wait3A_41, %dma_wait3A_42] : memref<10000x16xf32, #tpu.memory_space<hbm>> -> memref<10000x16xf32, #tpu.memory_space<hbm>>
      tpu.wait_indirect_dma semaphore(%arg17 : memref<!tpu.dma_semaphore, #tpu.memory_space<semaphore_mem>>) src(%dma_wait3A_43 : memref<10000x16xf32, #tpu.memory_space<hbm>>) dst(%arg10 : memref<128x16xf32, #tpu.memory_space<vmem>>)
      %dma_wait3A_44 = arith.constant 0 : i32
      %dma_wait3A_45 = arith.constant 0 : i32
      %dma_wait3A_46 = tpu.memref_slice %arg3[%dma_wait3A_44, %dma_wait3A_45] : memref<10000x16xf32, #tpu.memory_space<hbm>> -> memref<10000x16xf32, #tpu.memory_space<hbm>>
      tpu.wait_indirect_dma semaphore(%arg18 : memref<!tpu.dma_semaphore, #tpu.memory_space<semaphore_mem>>) src(%dma_wait3A_46 : memref<10000x16xf32, #tpu.memory_space<hbm>>) dst(%arg11 : memref<128x16xf32, #tpu.memory_space<vmem>>)
      %scan3A = arith.constant 0 : i32
      %scan3A_47 = arith.constant 128 : i32
      %scan3A_48 = arith.addi %scan3A, %scan3A_47 : i32
      %scan3A_49 = arith.constant 1 : i32
      scf.for %scan3A_51 = %scan3A to %scan3A_48 step %scan3A_49  : i32 {
        %mul3A_52 = arith.constant 1 : i32
        %mul3A_53 = arith.muli %scan3A_51, %mul3A_52 : i32
        %add3A_54 = arith.constant 0 : i32
        %add3A_55 = arith.addi %add3A_54, %mul3A_53 : i32
        %get3A = arith.index_cast %add3A_55 : i32 to index
        %get3A_56 = arith.constant 0 : index
        %get3A_57 = tpu.vector_load %arg10[%get3A, %get3A_56] {strides = array<i32>} : memref<128x16xf32, #tpu.memory_space<vmem>>, vector<16xf32>,
        %get3A_58 = arith.index_cast %add3A_55 : i32 to index
        %get3A_59 = arith.constant 0 : index
        %get3A_60 = tpu.vector_load %arg11[%get3A_58, %get3A_59] {strides = array<i32>} : memref<128x16xf32, #tpu.memory_space<vmem>>, vector<16xf32>,
        %add3A_61 = arith.addf %get3A_57, %get3A_60 : vector<16xf32>
        %get3A_62 = arith.index_cast %add3A_55 : i32 to index
        %get3A_63 = arith.constant 0 : index
        %get3A_64 = tpu.vector_load %arg12[%get3A_62, %get3A_63] {strides = array<i32>} : memref<128x16xf32, #tpu.memory_space<vmem>>, vector<16xf32>,
        %add3A_65 = arith.addf %add3A_61, %get3A_64 : vector<16xf32>
        %abs3A = math.absf %add3A_65 : vector<16xf32>
        %mul3A_66 = arith.constant -2.000000e+00 : f32
        %mul3A_67 = vector.broadcast %mul3A_66 : f32 to vector<16xf32>
        %mul3A_68 = arith.mulf %abs3A, %mul3A_67 : vector<16xf32>
        %exp3A = math.exp %mul3A_68 : vector<16xf32>
        %sign3A = tpu.bitcast %add3A_65 : vector<16xf32> -> vector<16xi32>
        %sign3A_69 = arith.constant -2147483648 : i32
        %sign3A_70 = vector.broadcast %sign3A_69 : i32 to vector<16xi32>
        %sign3A_71 = arith.andi %sign3A, %sign3A_70 : vector<16xi32>
        %sign3A_72 = arith.constant 1065353216 : i32
        %sign3A_73 = vector.broadcast %sign3A_72 : i32 to vector<16xi32>
        %sign3A_74 = arith.ori %sign3A_73, %sign3A_71 : vector<16xi32>
        %sign3A_75 = tpu.bitcast %sign3A_74 : vector<16xi32> -> vector<16xf32>
        %sign3A_76 = math.absf %add3A_65 : vector<16xf32>
        %sign3A_77 = arith.constant 0.000000e+00 : f32
        %sign3A_78 = vector.broadcast %sign3A_77 : f32 to vector<16xf32>
        %sign3A_79 = arith.cmpf ogt, %sign3A_76, %sign3A_78 : vector<16xf32>
        %sign3A_80 = arith.select %sign3A_79, %sign3A_75, %add3A_65 : vector<16xi1>, vector<16xf32>
        %sub3A_81 = arith.constant 1.000000e+00 : f32
        %sub3A_82 = vector.broadcast %sub3A_81 : f32 to vector<16xf32>
        %sub3A_83 = arith.subf %sub3A_82, %exp3A : vector<16xf32>
        %add3A_84 = arith.constant 1.000000e+00 : f32
        %add3A_85 = vector.broadcast %add3A_84 : f32 to vector<16xf32>
        %add3A_86 = arith.addf %add3A_85, %exp3A : vector<16xf32>
        %div3A_87 = arith.divf %sub3A_83, %add3A_86 : vector<16xf32>
        %mul3A_88 = arith.mulf %sign3A_80, %div3A_87 : vector<16xf32>
        %swap3A = arith.index_cast %add3A_55 : i32 to index
        %swap3A_89 = arith.constant 0 : index
        %swap3A_90 = tpu.vector_load %arg13[%swap3A, %swap3A_89] {strides = array<i32>} : memref<128x16xf32, #tpu.memory_space<vmem>>, vector<16xf32>,
        tpu.vector_store %arg13[%swap3A, %swap3A_89], %mul3A_88 {strides = array<i32>} : memref<128x16xf32, #tpu.memory_space<vmem>>, vector<16xf32>,
      }
      %scan3A_50 = arith.constant 128 : i32
      "tpu.region"() ({
        %run_scoped3A = tpu.sem_alloc : memref<!tpu.dma_semaphore, #tpu.memory_space<semaphore_mem>>
        %dma_start3A_51 = arith.constant 0 : i32
        %dma_start3A_52 = tpu.memref_slice %arg7[%mul3A_20, %dma_start3A_51] : memref<320000x16xf32, #tpu.memory_space<hbm>> -> memref<128x16xf32, #tpu.memory_space<hbm>>
        %dma_start3A_53 = arith.constant 0 : i32
        %dma_start3A_54 = tpu.memref_slice %arg7[%mul3A_20, %dma_start3A_53] : memref<320000x16xf32, #tpu.memory_space<hbm>> -> memref<128x16xf32, #tpu.memory_space<hbm>>
        tpu.enqueue_dma source(%arg13 : memref<128x16xf32, #tpu.memory_space<vmem>>) target(%dma_start3A_54 : memref<128x16xf32, #tpu.memory_space<hbm>>) target_semaphore(%run_scoped3A : memref<!tpu.dma_semaphore, #tpu.memory_space<semaphore_mem>>)
        %dma_wait3A_55 = arith.constant 0 : i32
        %dma_wait3A_56 = tpu.memref_slice %arg7[%mul3A_20, %dma_wait3A_55] : memref<320000x16xf32, #tpu.memory_space<hbm>> -> memref<128x16xf32, #tpu.memory_space<hbm>>
        %dma_wait3A_57 = arith.constant 0 : i32
        %dma_wait3A_58 = tpu.memref_slice %arg7[%mul3A_20, %dma_wait3A_57] : memref<320000x16xf32, #tpu.memory_space<hbm>> -> memref<128x16xf32, #tpu.memory_space<hbm>>
        tpu.wait_dma2 semaphore(%run_scoped3A : memref<!tpu.dma_semaphore, #tpu.memory_space<semaphore_mem>>) src(%arg13 : memref<128x16xf32, #tpu.memory_space<vmem>>) dst(%dma_wait3A_58 : memref<128x16xf32, #tpu.memory_space<hbm>>)
        tpu.yield
      }) : () -> ()
    }
    return
  }
}

#map = affine_map<(d0, d1) -> (0, 0)>
#map1 = affine_map<(d0, d1) -> (0)>
#map2 = affine_map<(d0, d1) -> (0, 0, 0)>
module attributes {stable_mosaic.version = 14 : i64} {
  func.func @run(%arg0: i32, %arg1: i32, %arg2: memref<10000x128xf32, #tpu.memory_space<hbm>>, %arg3: memref<320000x128xf32, #tpu.memory_space<hbm>>, %arg4: memref<320000xi32, #tpu.memory_space<hbm>>, %arg5: memref<320000xi32, #tpu.memory_space<hbm>>, %arg6: memref<2x10000x128xf32, #tpu.memory_space<hbm>>, %arg7: memref<320000xf32, #tpu.memory_space<hbm>>, %arg8: memref<128xi32, #tpu.memory_space<vmem>>, %arg9: memref<128xi32, #tpu.memory_space<vmem>>, %arg10: memref<128x128xf32, #tpu.memory_space<vmem>>, %arg11: memref<128x128xf32, #tpu.memory_space<vmem>>, %arg12: memref<10000xf32, #tpu.memory_space<vmem>>, %arg13: memref<10000x128xf32, #tpu.memory_space<vmem_shared>>, %arg14: memref<!tpu.dma_semaphore, #tpu.memory_space<semaphore_mem>>, %arg15: memref<!tpu.dma_semaphore, #tpu.memory_space<semaphore_mem>>, %arg16: memref<!tpu.dma_semaphore, #tpu.memory_space<semaphore_mem>>, %arg17: memref<!tpu.dma_semaphore, #tpu.memory_space<semaphore_mem>>) attributes {dimension_semantics = [#tpu.dimension_semantics<core_parallel>, #tpu.dimension_semantics<subcore_parallel>], iteration_bounds = array<i64: 2, 16>, scalar_prefetch = 0 : i64, scratch_operands = 10 : i64, tpu.core_type = #tpu.core_type<sc_vector_subcore>, window_params = [{transform_indices = #map}, {transform_indices = #map}, {transform_indices = #map1}, {transform_indices = #map1}, {transform_indices = #map2}, {transform_indices = #map1}]} {
    %mul3A = arith.constant 2 : i32
    %mul3A_0 = arith.muli %arg1, %mul3A : i32
    %add3A = arith.addi %mul3A_0, %arg0 : i32
    %broadcast_in_dim3A = arith.constant 0.000000e+00 : f32
    %broadcast_in_dim3A_1 = vector.broadcast %broadcast_in_dim3A : f32 to vector<16xf32>
    %broadcast_in_dim3A_2 = arith.constant 1.000000e+00 : f32
    %broadcast_in_dim3A_3 = vector.broadcast %broadcast_in_dim3A_2 : f32 to vector<16xf32>
    %scan3A = arith.constant 0 : i32
    %scan3A_4 = arith.constant 625 : i32
    %scan3A_5 = arith.addi %scan3A, %scan3A_4 : i32
    %scan3A_6 = arith.constant 1 : i32
    scf.for %scan3A_67 = %scan3A to %scan3A_5 step %scan3A_6  : i32 {
      %mul3A_68 = arith.constant 1 : i32
      %mul3A_69 = arith.muli %scan3A_67, %mul3A_68 : i32
      %add3A_70 = arith.constant 0 : i32
      %add3A_71 = arith.addi %add3A_70, %mul3A_69 : i32
      %mul3A_72 = arith.constant 16 : i32
      %mul3A_73 = arith.muli %add3A_71, %mul3A_72 : i32
      %swap3A = arith.index_cast %mul3A_73 : i32 to index
      %swap3A_74 = tpu.vector_load %arg12[%swap3A] {strides = array<i32>} : memref<10000xf32, #tpu.memory_space<vmem>>, vector<16xf32>,
      tpu.vector_store %arg12[%swap3A], %broadcast_in_dim3A_1 {strides = array<i32>} : memref<10000xf32, #tpu.memory_space<vmem>>, vector<16xf32>,
    }
    %scan3A_7 = arith.constant 625 : i32
    %scan3A_8 = arith.constant 0 : i32
    %scan3A_9 = arith.constant 128 : i32
    %scan3A_10 = arith.addi %scan3A_8, %scan3A_9 : i32
    %scan3A_11 = arith.constant 1 : i32
    scf.for %scan3A_67 = %scan3A_8 to %scan3A_10 step %scan3A_11  : i32 {
      %mul3A_68 = arith.constant 1 : i32
      %mul3A_69 = arith.muli %scan3A_67, %mul3A_68 : i32
      %add3A_70 = arith.constant 0 : i32
      %add3A_71 = arith.addi %add3A_70, %mul3A_69 : i32
      %swap3A = arith.index_cast %add3A_71 : i32 to index
      %swap3A_72 = arith.constant 0 : index
      %swap3A_73 = tpu.vector_load %arg10[%swap3A, %swap3A_72] {strides = array<i32>} : memref<128x128xf32, #tpu.memory_space<vmem>>, vector<16xf32>,
      tpu.vector_store %arg10[%swap3A, %swap3A_72], %broadcast_in_dim3A_1 {strides = array<i32>} : memref<128x128xf32, #tpu.memory_space<vmem>>, vector<16xf32>,
      %swap3A_74 = arith.index_cast %add3A_71 : i32 to index
      %swap3A_75 = arith.constant 16 : index
      %swap3A_76 = tpu.vector_load %arg10[%swap3A_74, %swap3A_75] {strides = array<i32>} : memref<128x128xf32, #tpu.memory_space<vmem>>, vector<16xf32>,
      tpu.vector_store %arg10[%swap3A_74, %swap3A_75], %broadcast_in_dim3A_1 {strides = array<i32>} : memref<128x128xf32, #tpu.memory_space<vmem>>, vector<16xf32>,
      %swap3A_77 = arith.index_cast %add3A_71 : i32 to index
      %swap3A_78 = arith.constant 32 : index
      %swap3A_79 = tpu.vector_load %arg10[%swap3A_77, %swap3A_78] {strides = array<i32>} : memref<128x128xf32, #tpu.memory_space<vmem>>, vector<16xf32>,
      tpu.vector_store %arg10[%swap3A_77, %swap3A_78], %broadcast_in_dim3A_1 {strides = array<i32>} : memref<128x128xf32, #tpu.memory_space<vmem>>, vector<16xf32>,
      %swap3A_80 = arith.index_cast %add3A_71 : i32 to index
      %swap3A_81 = arith.constant 48 : index
      %swap3A_82 = tpu.vector_load %arg10[%swap3A_80, %swap3A_81] {strides = array<i32>} : memref<128x128xf32, #tpu.memory_space<vmem>>, vector<16xf32>,
      tpu.vector_store %arg10[%swap3A_80, %swap3A_81], %broadcast_in_dim3A_1 {strides = array<i32>} : memref<128x128xf32, #tpu.memory_space<vmem>>, vector<16xf32>,
      %swap3A_83 = arith.index_cast %add3A_71 : i32 to index
      %swap3A_84 = arith.constant 64 : index
      %swap3A_85 = tpu.vector_load %arg10[%swap3A_83, %swap3A_84] {strides = array<i32>} : memref<128x128xf32, #tpu.memory_space<vmem>>, vector<16xf32>,
      tpu.vector_store %arg10[%swap3A_83, %swap3A_84], %broadcast_in_dim3A_1 {strides = array<i32>} : memref<128x128xf32, #tpu.memory_space<vmem>>, vector<16xf32>,
      %swap3A_86 = arith.index_cast %add3A_71 : i32 to index
      %swap3A_87 = arith.constant 80 : index
      %swap3A_88 = tpu.vector_load %arg10[%swap3A_86, %swap3A_87] {strides = array<i32>} : memref<128x128xf32, #tpu.memory_space<vmem>>, vector<16xf32>,
      tpu.vector_store %arg10[%swap3A_86, %swap3A_87], %broadcast_in_dim3A_1 {strides = array<i32>} : memref<128x128xf32, #tpu.memory_space<vmem>>, vector<16xf32>,
      %swap3A_89 = arith.index_cast %add3A_71 : i32 to index
      %swap3A_90 = arith.constant 96 : index
      %swap3A_91 = tpu.vector_load %arg10[%swap3A_89, %swap3A_90] {strides = array<i32>} : memref<128x128xf32, #tpu.memory_space<vmem>>, vector<16xf32>,
      tpu.vector_store %arg10[%swap3A_89, %swap3A_90], %broadcast_in_dim3A_1 {strides = array<i32>} : memref<128x128xf32, #tpu.memory_space<vmem>>, vector<16xf32>,
      %swap3A_92 = arith.index_cast %add3A_71 : i32 to index
      %swap3A_93 = arith.constant 112 : index
      %swap3A_94 = tpu.vector_load %arg10[%swap3A_92, %swap3A_93] {strides = array<i32>} : memref<128x128xf32, #tpu.memory_space<vmem>>, vector<16xf32>,
      tpu.vector_store %arg10[%swap3A_92, %swap3A_93], %broadcast_in_dim3A_1 {strides = array<i32>} : memref<128x128xf32, #tpu.memory_space<vmem>>, vector<16xf32>,
    }
    %scan3A_12 = arith.constant 128 : i32
    %sub3A = arith.constant 125 : i32
    %sub3A_13 = arith.subi %sub3A, %arg1 : i32
    %sub3A_14 = arith.constant 16 : i32
    %sub3A_15 = arith.constant 1 : i32
    %sub3A_16 = arith.subi %sub3A_14, %sub3A_15 : i32
    %add3A_17 = arith.addi %sub3A_13, %sub3A_16 : i32
    %div3A = arith.constant 16 : i32
    %div3A_18 = arith.divsi %add3A_17, %div3A : i32
    %while3A = arith.constant 16 : i32
    %while3A_19 = arith.constant 0 : i32
    %while3A_20 = arith.subi %div3A_18, %while3A_19 : i32
    %while3A_21 = arith.addi %while3A_19, %while3A_20 : i32
    %while3A_22 = arith.constant 1 : i32
    %while3A_23 = arith.divsi %while3A_20, %while3A_22 : i32
    %while3A_24 = arith.muli %while3A_23, %while3A_22 : i32
    %while3A_25 = arith.addi %while3A_19, %while3A_24 : i32
    %while3A_26 = arith.constant 1 : i32
    scf.for %while3A_67 = %while3A_19 to %while3A_25 step %while3A_26  : i32 {
      %mul3A_68 = arith.muli %while3A_67, %while3A : i32
      %add3A_69 = arith.addi %arg1, %mul3A_68 : i32
      %mul3A_70 = arith.constant 80 : i32
      %mul3A_71 = arith.muli %add3A_69, %mul3A_70 : i32
      "tpu.region"() ({
        %run_scoped3A = tpu.sem_alloc : memref<!tpu.dma_semaphore, #tpu.memory_space<semaphore_mem>>
        %dma_start3A = arith.constant 0 : i32
        %dma_start3A_72 = arith.constant 0 : i32
        %dma_start3A_73 = tpu.memref_slice %arg10[%dma_start3A, %dma_start3A_72] : memref<128x128xf32, #tpu.memory_space<vmem>> -> memref<80x128xf32, #tpu.memory_space<vmem>>
        %dma_start3A_74 = arith.constant 0 : i32
        %dma_start3A_75 = tpu.memref_slice %arg13[%mul3A_71, %dma_start3A_74] : memref<10000x128xf32, #tpu.memory_space<vmem_shared>> -> memref<80x128xf32, #tpu.memory_space<vmem_shared>>
        %dma_start3A_76 = arith.constant 0 : i32
        %dma_start3A_77 = tpu.memref_slice %arg13[%mul3A_71, %dma_start3A_76] : memref<10000x128xf32, #tpu.memory_space<vmem_shared>> -> memref<80x128xf32, #tpu.memory_space<vmem_shared>>
        %dma_start3A_78 = arith.constant 0 : i32
        %dma_start3A_79 = arith.constant 0 : i32
        %dma_start3A_80 = tpu.memref_slice %arg10[%dma_start3A_78, %dma_start3A_79] : memref<128x128xf32, #tpu.memory_space<vmem>> -> memref<80x128xf32, #tpu.memory_space<vmem>>
        tpu.enqueue_dma source(%dma_start3A_80 : memref<80x128xf32, #tpu.memory_space<vmem>>) target(%dma_start3A_77 : memref<80x128xf32, #tpu.memory_space<vmem_shared>>) target_semaphore(%run_scoped3A : memref<!tpu.dma_semaphore, #tpu.memory_space<semaphore_mem>>)
        %dma_wait3A = arith.constant 0 : i32
        %dma_wait3A_81 = arith.constant 0 : i32
        %dma_wait3A_82 = tpu.memref_slice %arg10[%dma_wait3A, %dma_wait3A_81] : memref<128x128xf32, #tpu.memory_space<vmem>> -> memref<80x128xf32, #tpu.memory_space<vmem>>
        %dma_wait3A_83 = arith.constant 0 : i32
        %dma_wait3A_84 = tpu.memref_slice %arg13[%mul3A_71, %dma_wait3A_83] : memref<10000x128xf32, #tpu.memory_space<vmem_shared>> -> memref<80x128xf32, #tpu.memory_space<vmem_shared>>
        %dma_wait3A_85 = arith.constant 0 : i32
        %dma_wait3A_86 = tpu.memref_slice %arg13[%mul3A_71, %dma_wait3A_85] : memref<10000x128xf32, #tpu.memory_space<vmem_shared>> -> memref<80x128xf32, #tpu.memory_space<vmem_shared>>
        %dma_wait3A_87 = arith.constant 0 : i32
        %dma_wait3A_88 = arith.constant 0 : i32
        %dma_wait3A_89 = tpu.memref_slice %arg10[%dma_wait3A_87, %dma_wait3A_88] : memref<128x128xf32, #tpu.memory_space<vmem>> -> memref<80x128xf32, #tpu.memory_space<vmem>>
        tpu.wait_dma2 semaphore(%run_scoped3A : memref<!tpu.dma_semaphore, #tpu.memory_space<semaphore_mem>>) src(%dma_wait3A_89 : memref<80x128xf32, #tpu.memory_space<vmem>>) dst(%dma_wait3A_86 : memref<80x128xf32, #tpu.memory_space<vmem_shared>>)
        tpu.yield
      }) : () -> ()
    }
    %while3A_27 = arith.constant 1 : i32
    scf.for %while3A_67 = %while3A_25 to %while3A_21 step %while3A_27  : i32 {
      %mul3A_68 = arith.muli %while3A_67, %while3A : i32
      %add3A_69 = arith.addi %arg1, %mul3A_68 : i32
      %mul3A_70 = arith.constant 80 : i32
      %mul3A_71 = arith.muli %add3A_69, %mul3A_70 : i32
      "tpu.region"() ({
        %run_scoped3A = tpu.sem_alloc : memref<!tpu.dma_semaphore, #tpu.memory_space<semaphore_mem>>
        %dma_start3A = arith.constant 0 : i32
        %dma_start3A_72 = arith.constant 0 : i32
        %dma_start3A_73 = tpu.memref_slice %arg10[%dma_start3A, %dma_start3A_72] : memref<128x128xf32, #tpu.memory_space<vmem>> -> memref<80x128xf32, #tpu.memory_space<vmem>>
        %dma_start3A_74 = arith.constant 0 : i32
        %dma_start3A_75 = tpu.memref_slice %arg13[%mul3A_71, %dma_start3A_74] : memref<10000x128xf32, #tpu.memory_space<vmem_shared>> -> memref<80x128xf32, #tpu.memory_space<vmem_shared>>
        %dma_start3A_76 = arith.constant 0 : i32
        %dma_start3A_77 = tpu.memref_slice %arg13[%mul3A_71, %dma_start3A_76] : memref<10000x128xf32, #tpu.memory_space<vmem_shared>> -> memref<80x128xf32, #tpu.memory_space<vmem_shared>>
        %dma_start3A_78 = arith.constant 0 : i32
        %dma_start3A_79 = arith.constant 0 : i32
        %dma_start3A_80 = tpu.memref_slice %arg10[%dma_start3A_78, %dma_start3A_79] : memref<128x128xf32, #tpu.memory_space<vmem>> -> memref<80x128xf32, #tpu.memory_space<vmem>>
        tpu.enqueue_dma source(%dma_start3A_80 : memref<80x128xf32, #tpu.memory_space<vmem>>) target(%dma_start3A_77 : memref<80x128xf32, #tpu.memory_space<vmem_shared>>) target_semaphore(%run_scoped3A : memref<!tpu.dma_semaphore, #tpu.memory_space<semaphore_mem>>)
        %dma_wait3A = arith.constant 0 : i32
        %dma_wait3A_81 = arith.constant 0 : i32
        %dma_wait3A_82 = tpu.memref_slice %arg10[%dma_wait3A, %dma_wait3A_81] : memref<128x128xf32, #tpu.memory_space<vmem>> -> memref<80x128xf32, #tpu.memory_space<vmem>>
        %dma_wait3A_83 = arith.constant 0 : i32
        %dma_wait3A_84 = tpu.memref_slice %arg13[%mul3A_71, %dma_wait3A_83] : memref<10000x128xf32, #tpu.memory_space<vmem_shared>> -> memref<80x128xf32, #tpu.memory_space<vmem_shared>>
        %dma_wait3A_85 = arith.constant 0 : i32
        %dma_wait3A_86 = tpu.memref_slice %arg13[%mul3A_71, %dma_wait3A_85] : memref<10000x128xf32, #tpu.memory_space<vmem_shared>> -> memref<80x128xf32, #tpu.memory_space<vmem_shared>>
        %dma_wait3A_87 = arith.constant 0 : i32
        %dma_wait3A_88 = arith.constant 0 : i32
        %dma_wait3A_89 = tpu.memref_slice %arg10[%dma_wait3A_87, %dma_wait3A_88] : memref<128x128xf32, #tpu.memory_space<vmem>> -> memref<80x128xf32, #tpu.memory_space<vmem>>
        tpu.wait_dma2 semaphore(%run_scoped3A : memref<!tpu.dma_semaphore, #tpu.memory_space<semaphore_mem>>) src(%dma_wait3A_89 : memref<80x128xf32, #tpu.memory_space<vmem>>) dst(%dma_wait3A_86 : memref<80x128xf32, #tpu.memory_space<vmem_shared>>)
        tpu.yield
      }) : () -> ()
    }
    %barrier3A = arith.constant 0 : index
    tpu.barrier barrier_id(%barrier3A)
    %sub3A_28 = arith.constant 2500 : i32
    %sub3A_29 = arith.subi %sub3A_28, %add3A : i32
    %sub3A_30 = arith.constant 32 : i32
    %sub3A_31 = arith.constant 1 : i32
    %sub3A_32 = arith.subi %sub3A_30, %sub3A_31 : i32
    %add3A_33 = arith.addi %sub3A_29, %sub3A_32 : i32
    %div3A_34 = arith.constant 32 : i32
    %div3A_35 = arith.divsi %add3A_33, %div3A_34 : i32
    %while3A_36 = arith.constant 32 : i32
    %while3A_37 = arith.constant 0 : i32
    %while3A_38 = arith.subi %div3A_35, %while3A_37 : i32
    %while3A_39 = arith.addi %while3A_37, %while3A_38 : i32
    %while3A_40 = arith.constant 1 : i32
    %while3A_41 = arith.divsi %while3A_38, %while3A_40 : i32
    %while3A_42 = arith.muli %while3A_41, %while3A_40 : i32
    %while3A_43 = arith.addi %while3A_37, %while3A_42 : i32
    %while3A_44 = arith.constant 1 : i32
    scf.for %while3A_67 = %while3A_37 to %while3A_43 step %while3A_44  : i32 {
      %mul3A_68 = arith.muli %while3A_67, %while3A_36 : i32
      %add3A_69 = arith.addi %add3A, %mul3A_68 : i32
      %mul3A_70 = arith.constant 128 : i32
      %mul3A_71 = arith.muli %add3A_69, %mul3A_70 : i32
      %dma_start3A = tpu.memref_slice %arg4[%mul3A_71] : memref<320000xi32, #tpu.memory_space<hbm>> -> memref<128xi32, #tpu.memory_space<hbm>>
      %dma_start3A_72 = tpu.memref_slice %arg4[%mul3A_71] : memref<320000xi32, #tpu.memory_space<hbm>> -> memref<128xi32, #tpu.memory_space<hbm>>
      tpu.enqueue_dma source(%dma_start3A_72 : memref<128xi32, #tpu.memory_space<hbm>>) target(%arg8 : memref<128xi32, #tpu.memory_space<vmem>>) target_semaphore(%arg14 : memref<!tpu.dma_semaphore, #tpu.memory_space<semaphore_mem>>)
      %dma_start3A_73 = tpu.memref_slice %arg5[%mul3A_71] : memref<320000xi32, #tpu.memory_space<hbm>> -> memref<128xi32, #tpu.memory_space<hbm>>
      %dma_start3A_74 = tpu.memref_slice %arg5[%mul3A_71] : memref<320000xi32, #tpu.memory_space<hbm>> -> memref<128xi32, #tpu.memory_space<hbm>>
      tpu.enqueue_dma source(%dma_start3A_74 : memref<128xi32, #tpu.memory_space<hbm>>) target(%arg9 : memref<128xi32, #tpu.memory_space<vmem>>) target_semaphore(%arg15 : memref<!tpu.dma_semaphore, #tpu.memory_space<semaphore_mem>>)
      %dma_start3A_75 = arith.constant 0 : i32
      %dma_start3A_76 = tpu.memref_slice %arg3[%mul3A_71, %dma_start3A_75] : memref<320000x128xf32, #tpu.memory_space<hbm>> -> memref<128x128xf32, #tpu.memory_space<hbm>>
      %dma_start3A_77 = arith.constant 0 : i32
      %dma_start3A_78 = tpu.memref_slice %arg3[%mul3A_71, %dma_start3A_77] : memref<320000x128xf32, #tpu.memory_space<hbm>> -> memref<128x128xf32, #tpu.memory_space<hbm>>
      tpu.enqueue_dma source(%dma_start3A_78 : memref<128x128xf32, #tpu.memory_space<hbm>>) target(%arg11 : memref<128x128xf32, #tpu.memory_space<vmem>>) target_semaphore(%arg16 : memref<!tpu.dma_semaphore, #tpu.memory_space<semaphore_mem>>)
      %dma_wait3A = tpu.memref_slice %arg4[%mul3A_71] : memref<320000xi32, #tpu.memory_space<hbm>> -> memref<128xi32, #tpu.memory_space<hbm>>
      %dma_wait3A_79 = tpu.memref_slice %arg4[%mul3A_71] : memref<320000xi32, #tpu.memory_space<hbm>> -> memref<128xi32, #tpu.memory_space<hbm>>
      tpu.wait_dma2 semaphore(%arg14 : memref<!tpu.dma_semaphore, #tpu.memory_space<semaphore_mem>>) src(%dma_wait3A_79 : memref<128xi32, #tpu.memory_space<hbm>>) dst(%arg8 : memref<128xi32, #tpu.memory_space<vmem>>)
      %dma_start3A_80 = arith.constant 0 : i32
      %dma_start3A_81 = arith.constant 0 : i32
      %dma_start3A_82 = tpu.memref_slice %arg2[%dma_start3A_80, %dma_start3A_81] : memref<10000x128xf32, #tpu.memory_space<hbm>> -> memref<10000x128xf32, #tpu.memory_space<hbm>>
      tpu.enqueue_indirect_dma source(%dma_start3A_82 : memref<10000x128xf32, #tpu.memory_space<hbm>>) target(%arg10 : memref<128x128xf32, #tpu.memory_space<vmem>>) offsets(%arg8 : memref<128xi32, #tpu.memory_space<vmem>>) semaphore(%arg17 : memref<!tpu.dma_semaphore, #tpu.memory_space<semaphore_mem>>)
      %dma_wait3A_83 = tpu.memref_slice %arg5[%mul3A_71] : memref<320000xi32, #tpu.memory_space<hbm>> -> memref<128xi32, #tpu.memory_space<hbm>>
      %dma_wait3A_84 = tpu.memref_slice %arg5[%mul3A_71] : memref<320000xi32, #tpu.memory_space<hbm>> -> memref<128xi32, #tpu.memory_space<hbm>>
      tpu.wait_dma2 semaphore(%arg15 : memref<!tpu.dma_semaphore, #tpu.memory_space<semaphore_mem>>) src(%dma_wait3A_84 : memref<128xi32, #tpu.memory_space<hbm>>) dst(%arg9 : memref<128xi32, #tpu.memory_space<vmem>>)
      %get3A = arith.constant 0 : index
      %get3A_85 = tpu.vector_load %arg9[%get3A] {strides = array<i32>} : memref<128xi32, #tpu.memory_space<vmem>>, vector<16xi32>,
      tpu.vector_store_idx %arg12[%get3A_85], %broadcast_in_dim3A_3 {add = true} : memref<10000xf32, #tpu.memory_space<vmem>>[vector<16xi32>], vector<16xf32>,
      %get3A_86 = arith.constant 16 : index
      %get3A_87 = tpu.vector_load %arg9[%get3A_86] {strides = array<i32>} : memref<128xi32, #tpu.memory_space<vmem>>, vector<16xi32>,
      tpu.vector_store_idx %arg12[%get3A_87], %broadcast_in_dim3A_3 {add = true} : memref<10000xf32, #tpu.memory_space<vmem>>[vector<16xi32>], vector<16xf32>,
      %get3A_88 = arith.constant 32 : index
      %get3A_89 = tpu.vector_load %arg9[%get3A_88] {strides = array<i32>} : memref<128xi32, #tpu.memory_space<vmem>>, vector<16xi32>,
      tpu.vector_store_idx %arg12[%get3A_89], %broadcast_in_dim3A_3 {add = true} : memref<10000xf32, #tpu.memory_space<vmem>>[vector<16xi32>], vector<16xf32>,
      %get3A_90 = arith.constant 48 : index
      %get3A_91 = tpu.vector_load %arg9[%get3A_90] {strides = array<i32>} : memref<128xi32, #tpu.memory_space<vmem>>, vector<16xi32>,
      tpu.vector_store_idx %arg12[%get3A_91], %broadcast_in_dim3A_3 {add = true} : memref<10000xf32, #tpu.memory_space<vmem>>[vector<16xi32>], vector<16xf32>,
      %get3A_92 = arith.constant 64 : index
      %get3A_93 = tpu.vector_load %arg9[%get3A_92] {strides = array<i32>} : memref<128xi32, #tpu.memory_space<vmem>>, vector<16xi32>,
      tpu.vector_store_idx %arg12[%get3A_93], %broadcast_in_dim3A_3 {add = true} : memref<10000xf32, #tpu.memory_space<vmem>>[vector<16xi32>], vector<16xf32>,
      %get3A_94 = arith.constant 80 : index
      %get3A_95 = tpu.vector_load %arg9[%get3A_94] {strides = array<i32>} : memref<128xi32, #tpu.memory_space<vmem>>, vector<16xi32>,
      tpu.vector_store_idx %arg12[%get3A_95], %broadcast_in_dim3A_3 {add = true} : memref<10000xf32, #tpu.memory_space<vmem>>[vector<16xi32>], vector<16xf32>,
      %get3A_96 = arith.constant 96 : index
      %get3A_97 = tpu.vector_load %arg9[%get3A_96] {strides = array<i32>} : memref<128xi32, #tpu.memory_space<vmem>>, vector<16xi32>,
      tpu.vector_store_idx %arg12[%get3A_97], %broadcast_in_dim3A_3 {add = true} : memref<10000xf32, #tpu.memory_space<vmem>>[vector<16xi32>], vector<16xf32>,
      %get3A_98 = arith.constant 112 : index
      %get3A_99 = tpu.vector_load %arg9[%get3A_98] {strides = array<i32>} : memref<128xi32, #tpu.memory_space<vmem>>, vector<16xi32>,
      tpu.vector_store_idx %arg12[%get3A_99], %broadcast_in_dim3A_3 {add = true} : memref<10000xf32, #tpu.memory_space<vmem>>[vector<16xi32>], vector<16xf32>,
      %dma_wait3A_100 = arith.constant 0 : i32
      %dma_wait3A_101 = tpu.memref_slice %arg3[%mul3A_71, %dma_wait3A_100] : memref<320000x128xf32, #tpu.memory_space<hbm>> -> memref<128x128xf32, #tpu.memory_space<hbm>>
      %dma_wait3A_102 = arith.constant 0 : i32
      %dma_wait3A_103 = tpu.memref_slice %arg3[%mul3A_71, %dma_wait3A_102] : memref<320000x128xf32, #tpu.memory_space<hbm>> -> memref<128x128xf32, #tpu.memory_space<hbm>>
      tpu.wait_dma2 semaphore(%arg16 : memref<!tpu.dma_semaphore, #tpu.memory_space<semaphore_mem>>) src(%dma_wait3A_103 : memref<128x128xf32, #tpu.memory_space<hbm>>) dst(%arg11 : memref<128x128xf32, #tpu.memory_space<vmem>>)
      %dma_wait3A_104 = arith.constant 0 : i32
      %dma_wait3A_105 = arith.constant 0 : i32
      %dma_wait3A_106 = tpu.memref_slice %arg2[%dma_wait3A_104, %dma_wait3A_105] : memref<10000x128xf32, #tpu.memory_space<hbm>> -> memref<10000x128xf32, #tpu.memory_space<hbm>>
      tpu.wait_indirect_dma semaphore(%arg17 : memref<!tpu.dma_semaphore, #tpu.memory_space<semaphore_mem>>) src(%dma_wait3A_106 : memref<10000x128xf32, #tpu.memory_space<hbm>>) dst(%arg10 : memref<128x128xf32, #tpu.memory_space<vmem>>)
      %scan3A_107 = arith.constant 0 : i32
      %scan3A_108 = arith.constant 128 : i32
      %scan3A_109 = arith.addi %scan3A_107, %scan3A_108 : i32
      %scan3A_110 = arith.constant 1 : i32
      scf.for %scan3A_112 = %scan3A_107 to %scan3A_109 step %scan3A_110  : i32 {
        %mul3A_113 = arith.constant 1 : i32
        %mul3A_114 = arith.muli %scan3A_112, %mul3A_113 : i32
        %add3A_115 = arith.constant 0 : i32
        %add3A_116 = arith.addi %add3A_115, %mul3A_114 : i32
        %get3A_117 = arith.index_cast %add3A_116 : i32 to index
        %get3A_118 = arith.constant 0 : index
        %get3A_119 = tpu.vector_load %arg10[%get3A_117, %get3A_118] {strides = array<i32>} : memref<128x128xf32, #tpu.memory_space<vmem>>, vector<16xf32>,
        %get3A_120 = arith.index_cast %add3A_116 : i32 to index
        %get3A_121 = arith.constant 0 : index
        %get3A_122 = tpu.vector_load %arg11[%get3A_120, %get3A_121] {strides = array<i32>} : memref<128x128xf32, #tpu.memory_space<vmem>>, vector<16xf32>,
        %add3A_123 = arith.addf %get3A_119, %get3A_122 : vector<16xf32>
        %abs3A = math.absf %add3A_123 : vector<16xf32>
        %mul3A_124 = arith.constant -2.000000e+00 : f32
        %mul3A_125 = vector.broadcast %mul3A_124 : f32 to vector<16xf32>
        %mul3A_126 = arith.mulf %abs3A, %mul3A_125 : vector<16xf32>
        %exp3A = math.exp %mul3A_126 : vector<16xf32>
        %sign3A = tpu.bitcast %add3A_123 : vector<16xf32> -> vector<16xi32>
        %sign3A_127 = arith.constant -2147483648 : i32
        %sign3A_128 = vector.broadcast %sign3A_127 : i32 to vector<16xi32>
        %sign3A_129 = arith.andi %sign3A, %sign3A_128 : vector<16xi32>
        %sign3A_130 = arith.constant 1065353216 : i32
        %sign3A_131 = vector.broadcast %sign3A_130 : i32 to vector<16xi32>
        %sign3A_132 = arith.ori %sign3A_131, %sign3A_129 : vector<16xi32>
        %sign3A_133 = tpu.bitcast %sign3A_132 : vector<16xi32> -> vector<16xf32>
        %sign3A_134 = math.absf %add3A_123 : vector<16xf32>
        %sign3A_135 = arith.constant 0.000000e+00 : f32
        %sign3A_136 = vector.broadcast %sign3A_135 : f32 to vector<16xf32>
        %sign3A_137 = arith.cmpf ogt, %sign3A_134, %sign3A_136 : vector<16xf32>
        %sign3A_138 = arith.select %sign3A_137, %sign3A_133, %add3A_123 : vector<16xi1>, vector<16xf32>
        %sub3A_139 = arith.constant 1.000000e+00 : f32
        %sub3A_140 = vector.broadcast %sub3A_139 : f32 to vector<16xf32>
        %sub3A_141 = arith.subf %sub3A_140, %exp3A : vector<16xf32>
        %add3A_142 = arith.constant 1.000000e+00 : f32
        %add3A_143 = vector.broadcast %add3A_142 : f32 to vector<16xf32>
        %add3A_144 = arith.addf %add3A_143, %exp3A : vector<16xf32>
        %div3A_145 = arith.divf %sub3A_141, %add3A_144 : vector<16xf32>
        %mul3A_146 = arith.mulf %sign3A_138, %div3A_145 : vector<16xf32>
        %swap3A = arith.index_cast %add3A_116 : i32 to index
        %swap3A_147 = arith.constant 0 : index
        %swap3A_148 = tpu.vector_load %arg10[%swap3A, %swap3A_147] {strides = array<i32>} : memref<128x128xf32, #tpu.memory_space<vmem>>, vector<16xf32>,
        tpu.vector_store %arg10[%swap3A, %swap3A_147], %mul3A_146 {strides = array<i32>} : memref<128x128xf32, #tpu.memory_space<vmem>>, vector<16xf32>,
        %get3A_149 = arith.index_cast %add3A_116 : i32 to index
        %get3A_150 = arith.constant 16 : index
        %get3A_151 = tpu.vector_load %arg10[%get3A_149, %get3A_150] {strides = array<i32>} : memref<128x128xf32, #tpu.memory_space<vmem>>, vector<16xf32>,
        %get3A_152 = arith.index_cast %add3A_116 : i32 to index
        %get3A_153 = arith.constant 16 : index
        %get3A_154 = tpu.vector_load %arg11[%get3A_152, %get3A_153] {strides = array<i32>} : memref<128x128xf32, #tpu.memory_space<vmem>>, vector<16xf32>,
        %add3A_155 = arith.addf %get3A_151, %get3A_154 : vector<16xf32>
        %abs3A_156 = math.absf %add3A_155 : vector<16xf32>
        %mul3A_157 = arith.constant -2.000000e+00 : f32
        %mul3A_158 = vector.broadcast %mul3A_157 : f32 to vector<16xf32>
        %mul3A_159 = arith.mulf %abs3A_156, %mul3A_158 : vector<16xf32>
        %exp3A_160 = math.exp %mul3A_159 : vector<16xf32>
        %sign3A_161 = tpu.bitcast %add3A_155 : vector<16xf32> -> vector<16xi32>
        %sign3A_162 = arith.constant -2147483648 : i32
        %sign3A_163 = vector.broadcast %sign3A_162 : i32 to vector<16xi32>
        %sign3A_164 = arith.andi %sign3A_161, %sign3A_163 : vector<16xi32>
        %sign3A_165 = arith.constant 1065353216 : i32
        %sign3A_166 = vector.broadcast %sign3A_165 : i32 to vector<16xi32>
        %sign3A_167 = arith.ori %sign3A_166, %sign3A_164 : vector<16xi32>
        %sign3A_168 = tpu.bitcast %sign3A_167 : vector<16xi32> -> vector<16xf32>
        %sign3A_169 = math.absf %add3A_155 : vector<16xf32>
        %sign3A_170 = arith.constant 0.000000e+00 : f32
        %sign3A_171 = vector.broadcast %sign3A_170 : f32 to vector<16xf32>
        %sign3A_172 = arith.cmpf ogt, %sign3A_169, %sign3A_171 : vector<16xf32>
        %sign3A_173 = arith.select %sign3A_172, %sign3A_168, %add3A_155 : vector<16xi1>, vector<16xf32>
        %sub3A_174 = arith.constant 1.000000e+00 : f32
        %sub3A_175 = vector.broadcast %sub3A_174 : f32 to vector<16xf32>
        %sub3A_176 = arith.subf %sub3A_175, %exp3A_160 : vector<16xf32>
        %add3A_177 = arith.constant 1.000000e+00 : f32
        %add3A_178 = vector.broadcast %add3A_177 : f32 to vector<16xf32>
        %add3A_179 = arith.addf %add3A_178, %exp3A_160 : vector<16xf32>
        %div3A_180 = arith.divf %sub3A_176, %add3A_179 : vector<16xf32>
        %mul3A_181 = arith.mulf %sign3A_173, %div3A_180 : vector<16xf32>
        %swap3A_182 = arith.index_cast %add3A_116 : i32 to index
        %swap3A_183 = arith.constant 16 : index
        %swap3A_184 = tpu.vector_load %arg10[%swap3A_182, %swap3A_183] {strides = array<i32>} : memref<128x128xf32, #tpu.memory_space<vmem>>, vector<16xf32>,
        tpu.vector_store %arg10[%swap3A_182, %swap3A_183], %mul3A_181 {strides = array<i32>} : memref<128x128xf32, #tpu.memory_space<vmem>>, vector<16xf32>,
        %get3A_185 = arith.index_cast %add3A_116 : i32 to index
        %get3A_186 = arith.constant 32 : index
        %get3A_187 = tpu.vector_load %arg10[%get3A_185, %get3A_186] {strides = array<i32>} : memref<128x128xf32, #tpu.memory_space<vmem>>, vector<16xf32>,
        %get3A_188 = arith.index_cast %add3A_116 : i32 to index
        %get3A_189 = arith.constant 32 : index
        %get3A_190 = tpu.vector_load %arg11[%get3A_188, %get3A_189] {strides = array<i32>} : memref<128x128xf32, #tpu.memory_space<vmem>>, vector<16xf32>,
        %add3A_191 = arith.addf %get3A_187, %get3A_190 : vector<16xf32>
        %abs3A_192 = math.absf %add3A_191 : vector<16xf32>
        %mul3A_193 = arith.constant -2.000000e+00 : f32
        %mul3A_194 = vector.broadcast %mul3A_193 : f32 to vector<16xf32>
        %mul3A_195 = arith.mulf %abs3A_192, %mul3A_194 : vector<16xf32>
        %exp3A_196 = math.exp %mul3A_195 : vector<16xf32>
        %sign3A_197 = tpu.bitcast %add3A_191 : vector<16xf32> -> vector<16xi32>
        %sign3A_198 = arith.constant -2147483648 : i32
        %sign3A_199 = vector.broadcast %sign3A_198 : i32 to vector<16xi32>
        %sign3A_200 = arith.andi %sign3A_197, %sign3A_199 : vector<16xi32>
        %sign3A_201 = arith.constant 1065353216 : i32
        %sign3A_202 = vector.broadcast %sign3A_201 : i32 to vector<16xi32>
        %sign3A_203 = arith.ori %sign3A_202, %sign3A_200 : vector<16xi32>
        %sign3A_204 = tpu.bitcast %sign3A_203 : vector<16xi32> -> vector<16xf32>
        %sign3A_205 = math.absf %add3A_191 : vector<16xf32>
        %sign3A_206 = arith.constant 0.000000e+00 : f32
        %sign3A_207 = vector.broadcast %sign3A_206 : f32 to vector<16xf32>
        %sign3A_208 = arith.cmpf ogt, %sign3A_205, %sign3A_207 : vector<16xf32>
        %sign3A_209 = arith.select %sign3A_208, %sign3A_204, %add3A_191 : vector<16xi1>, vector<16xf32>
        %sub3A_210 = arith.constant 1.000000e+00 : f32
        %sub3A_211 = vector.broadcast %sub3A_210 : f32 to vector<16xf32>
        %sub3A_212 = arith.subf %sub3A_211, %exp3A_196 : vector<16xf32>
        %add3A_213 = arith.constant 1.000000e+00 : f32
        %add3A_214 = vector.broadcast %add3A_213 : f32 to vector<16xf32>
        %add3A_215 = arith.addf %add3A_214, %exp3A_196 : vector<16xf32>
        %div3A_216 = arith.divf %sub3A_212, %add3A_215 : vector<16xf32>
        %mul3A_217 = arith.mulf %sign3A_209, %div3A_216 : vector<16xf32>
        %swap3A_218 = arith.index_cast %add3A_116 : i32 to index
        %swap3A_219 = arith.constant 32 : index
        %swap3A_220 = tpu.vector_load %arg10[%swap3A_218, %swap3A_219] {strides = array<i32>} : memref<128x128xf32, #tpu.memory_space<vmem>>, vector<16xf32>,
        tpu.vector_store %arg10[%swap3A_218, %swap3A_219], %mul3A_217 {strides = array<i32>} : memref<128x128xf32, #tpu.memory_space<vmem>>, vector<16xf32>,
        %get3A_221 = arith.index_cast %add3A_116 : i32 to index
        %get3A_222 = arith.constant 48 : index
        %get3A_223 = tpu.vector_load %arg10[%get3A_221, %get3A_222] {strides = array<i32>} : memref<128x128xf32, #tpu.memory_space<vmem>>, vector<16xf32>,
        %get3A_224 = arith.index_cast %add3A_116 : i32 to index
        %get3A_225 = arith.constant 48 : index
        %get3A_226 = tpu.vector_load %arg11[%get3A_224, %get3A_225] {strides = array<i32>} : memref<128x128xf32, #tpu.memory_space<vmem>>, vector<16xf32>,
        %add3A_227 = arith.addf %get3A_223, %get3A_226 : vector<16xf32>
        %abs3A_228 = math.absf %add3A_227 : vector<16xf32>
        %mul3A_229 = arith.constant -2.000000e+00 : f32
        %mul3A_230 = vector.broadcast %mul3A_229 : f32 to vector<16xf32>
        %mul3A_231 = arith.mulf %abs3A_228, %mul3A_230 : vector<16xf32>
        %exp3A_232 = math.exp %mul3A_231 : vector<16xf32>
        %sign3A_233 = tpu.bitcast %add3A_227 : vector<16xf32> -> vector<16xi32>
        %sign3A_234 = arith.constant -2147483648 : i32
        %sign3A_235 = vector.broadcast %sign3A_234 : i32 to vector<16xi32>
        %sign3A_236 = arith.andi %sign3A_233, %sign3A_235 : vector<16xi32>
        %sign3A_237 = arith.constant 1065353216 : i32
        %sign3A_238 = vector.broadcast %sign3A_237 : i32 to vector<16xi32>
        %sign3A_239 = arith.ori %sign3A_238, %sign3A_236 : vector<16xi32>
        %sign3A_240 = tpu.bitcast %sign3A_239 : vector<16xi32> -> vector<16xf32>
        %sign3A_241 = math.absf %add3A_227 : vector<16xf32>
        %sign3A_242 = arith.constant 0.000000e+00 : f32
        %sign3A_243 = vector.broadcast %sign3A_242 : f32 to vector<16xf32>
        %sign3A_244 = arith.cmpf ogt, %sign3A_241, %sign3A_243 : vector<16xf32>
        %sign3A_245 = arith.select %sign3A_244, %sign3A_240, %add3A_227 : vector<16xi1>, vector<16xf32>
        %sub3A_246 = arith.constant 1.000000e+00 : f32
        %sub3A_247 = vector.broadcast %sub3A_246 : f32 to vector<16xf32>
        %sub3A_248 = arith.subf %sub3A_247, %exp3A_232 : vector<16xf32>
        %add3A_249 = arith.constant 1.000000e+00 : f32
        %add3A_250 = vector.broadcast %add3A_249 : f32 to vector<16xf32>
        %add3A_251 = arith.addf %add3A_250, %exp3A_232 : vector<16xf32>
        %div3A_252 = arith.divf %sub3A_248, %add3A_251 : vector<16xf32>
        %mul3A_253 = arith.mulf %sign3A_245, %div3A_252 : vector<16xf32>
        %swap3A_254 = arith.index_cast %add3A_116 : i32 to index
        %swap3A_255 = arith.constant 48 : index
        %swap3A_256 = tpu.vector_load %arg10[%swap3A_254, %swap3A_255] {strides = array<i32>} : memref<128x128xf32, #tpu.memory_space<vmem>>, vector<16xf32>,
        tpu.vector_store %arg10[%swap3A_254, %swap3A_255], %mul3A_253 {strides = array<i32>} : memref<128x128xf32, #tpu.memory_space<vmem>>, vector<16xf32>,
        %get3A_257 = arith.index_cast %add3A_116 : i32 to index
        %get3A_258 = arith.constant 64 : index
        %get3A_259 = tpu.vector_load %arg10[%get3A_257, %get3A_258] {strides = array<i32>} : memref<128x128xf32, #tpu.memory_space<vmem>>, vector<16xf32>,
        %get3A_260 = arith.index_cast %add3A_116 : i32 to index
        %get3A_261 = arith.constant 64 : index
        %get3A_262 = tpu.vector_load %arg11[%get3A_260, %get3A_261] {strides = array<i32>} : memref<128x128xf32, #tpu.memory_space<vmem>>, vector<16xf32>,
        %add3A_263 = arith.addf %get3A_259, %get3A_262 : vector<16xf32>
        %abs3A_264 = math.absf %add3A_263 : vector<16xf32>
        %mul3A_265 = arith.constant -2.000000e+00 : f32
        %mul3A_266 = vector.broadcast %mul3A_265 : f32 to vector<16xf32>
        %mul3A_267 = arith.mulf %abs3A_264, %mul3A_266 : vector<16xf32>
        %exp3A_268 = math.exp %mul3A_267 : vector<16xf32>
        %sign3A_269 = tpu.bitcast %add3A_263 : vector<16xf32> -> vector<16xi32>
        %sign3A_270 = arith.constant -2147483648 : i32
        %sign3A_271 = vector.broadcast %sign3A_270 : i32 to vector<16xi32>
        %sign3A_272 = arith.andi %sign3A_269, %sign3A_271 : vector<16xi32>
        %sign3A_273 = arith.constant 1065353216 : i32
        %sign3A_274 = vector.broadcast %sign3A_273 : i32 to vector<16xi32>
        %sign3A_275 = arith.ori %sign3A_274, %sign3A_272 : vector<16xi32>
        %sign3A_276 = tpu.bitcast %sign3A_275 : vector<16xi32> -> vector<16xf32>
        %sign3A_277 = math.absf %add3A_263 : vector<16xf32>
        %sign3A_278 = arith.constant 0.000000e+00 : f32
        %sign3A_279 = vector.broadcast %sign3A_278 : f32 to vector<16xf32>
        %sign3A_280 = arith.cmpf ogt, %sign3A_277, %sign3A_279 : vector<16xf32>
        %sign3A_281 = arith.select %sign3A_280, %sign3A_276, %add3A_263 : vector<16xi1>, vector<16xf32>
        %sub3A_282 = arith.constant 1.000000e+00 : f32
        %sub3A_283 = vector.broadcast %sub3A_282 : f32 to vector<16xf32>
        %sub3A_284 = arith.subf %sub3A_283, %exp3A_268 : vector<16xf32>
        %add3A_285 = arith.constant 1.000000e+00 : f32
        %add3A_286 = vector.broadcast %add3A_285 : f32 to vector<16xf32>
        %add3A_287 = arith.addf %add3A_286, %exp3A_268 : vector<16xf32>
        %div3A_288 = arith.divf %sub3A_284, %add3A_287 : vector<16xf32>
        %mul3A_289 = arith.mulf %sign3A_281, %div3A_288 : vector<16xf32>
        %swap3A_290 = arith.index_cast %add3A_116 : i32 to index
        %swap3A_291 = arith.constant 64 : index
        %swap3A_292 = tpu.vector_load %arg10[%swap3A_290, %swap3A_291] {strides = array<i32>} : memref<128x128xf32, #tpu.memory_space<vmem>>, vector<16xf32>,
        tpu.vector_store %arg10[%swap3A_290, %swap3A_291], %mul3A_289 {strides = array<i32>} : memref<128x128xf32, #tpu.memory_space<vmem>>, vector<16xf32>,
        %get3A_293 = arith.index_cast %add3A_116 : i32 to index
        %get3A_294 = arith.constant 80 : index
        %get3A_295 = tpu.vector_load %arg10[%get3A_293, %get3A_294] {strides = array<i32>} : memref<128x128xf32, #tpu.memory_space<vmem>>, vector<16xf32>,
        %get3A_296 = arith.index_cast %add3A_116 : i32 to index
        %get3A_297 = arith.constant 80 : index
        %get3A_298 = tpu.vector_load %arg11[%get3A_296, %get3A_297] {strides = array<i32>} : memref<128x128xf32, #tpu.memory_space<vmem>>, vector<16xf32>,
        %add3A_299 = arith.addf %get3A_295, %get3A_298 : vector<16xf32>
        %abs3A_300 = math.absf %add3A_299 : vector<16xf32>
        %mul3A_301 = arith.constant -2.000000e+00 : f32
        %mul3A_302 = vector.broadcast %mul3A_301 : f32 to vector<16xf32>
        %mul3A_303 = arith.mulf %abs3A_300, %mul3A_302 : vector<16xf32>
        %exp3A_304 = math.exp %mul3A_303 : vector<16xf32>
        %sign3A_305 = tpu.bitcast %add3A_299 : vector<16xf32> -> vector<16xi32>
        %sign3A_306 = arith.constant -2147483648 : i32
        %sign3A_307 = vector.broadcast %sign3A_306 : i32 to vector<16xi32>
        %sign3A_308 = arith.andi %sign3A_305, %sign3A_307 : vector<16xi32>
        %sign3A_309 = arith.constant 1065353216 : i32
        %sign3A_310 = vector.broadcast %sign3A_309 : i32 to vector<16xi32>
        %sign3A_311 = arith.ori %sign3A_310, %sign3A_308 : vector<16xi32>
        %sign3A_312 = tpu.bitcast %sign3A_311 : vector<16xi32> -> vector<16xf32>
        %sign3A_313 = math.absf %add3A_299 : vector<16xf32>
        %sign3A_314 = arith.constant 0.000000e+00 : f32
        %sign3A_315 = vector.broadcast %sign3A_314 : f32 to vector<16xf32>
        %sign3A_316 = arith.cmpf ogt, %sign3A_313, %sign3A_315 : vector<16xf32>
        %sign3A_317 = arith.select %sign3A_316, %sign3A_312, %add3A_299 : vector<16xi1>, vector<16xf32>
        %sub3A_318 = arith.constant 1.000000e+00 : f32
        %sub3A_319 = vector.broadcast %sub3A_318 : f32 to vector<16xf32>
        %sub3A_320 = arith.subf %sub3A_319, %exp3A_304 : vector<16xf32>
        %add3A_321 = arith.constant 1.000000e+00 : f32
        %add3A_322 = vector.broadcast %add3A_321 : f32 to vector<16xf32>
        %add3A_323 = arith.addf %add3A_322, %exp3A_304 : vector<16xf32>
        %div3A_324 = arith.divf %sub3A_320, %add3A_323 : vector<16xf32>
        %mul3A_325 = arith.mulf %sign3A_317, %div3A_324 : vector<16xf32>
        %swap3A_326 = arith.index_cast %add3A_116 : i32 to index
        %swap3A_327 = arith.constant 80 : index
        %swap3A_328 = tpu.vector_load %arg10[%swap3A_326, %swap3A_327] {strides = array<i32>} : memref<128x128xf32, #tpu.memory_space<vmem>>, vector<16xf32>,
        tpu.vector_store %arg10[%swap3A_326, %swap3A_327], %mul3A_325 {strides = array<i32>} : memref<128x128xf32, #tpu.memory_space<vmem>>, vector<16xf32>,
        %get3A_329 = arith.index_cast %add3A_116 : i32 to index
        %get3A_330 = arith.constant 96 : index
        %get3A_331 = tpu.vector_load %arg10[%get3A_329, %get3A_330] {strides = array<i32>} : memref<128x128xf32, #tpu.memory_space<vmem>>, vector<16xf32>,
        %get3A_332 = arith.index_cast %add3A_116 : i32 to index
        %get3A_333 = arith.constant 96 : index
        %get3A_334 = tpu.vector_load %arg11[%get3A_332, %get3A_333] {strides = array<i32>} : memref<128x128xf32, #tpu.memory_space<vmem>>, vector<16xf32>,
        %add3A_335 = arith.addf %get3A_331, %get3A_334 : vector<16xf32>
        %abs3A_336 = math.absf %add3A_335 : vector<16xf32>
        %mul3A_337 = arith.constant -2.000000e+00 : f32
        %mul3A_338 = vector.broadcast %mul3A_337 : f32 to vector<16xf32>
        %mul3A_339 = arith.mulf %abs3A_336, %mul3A_338 : vector<16xf32>
        %exp3A_340 = math.exp %mul3A_339 : vector<16xf32>
        %sign3A_341 = tpu.bitcast %add3A_335 : vector<16xf32> -> vector<16xi32>
        %sign3A_342 = arith.constant -2147483648 : i32
        %sign3A_343 = vector.broadcast %sign3A_342 : i32 to vector<16xi32>
        %sign3A_344 = arith.andi %sign3A_341, %sign3A_343 : vector<16xi32>
        %sign3A_345 = arith.constant 1065353216 : i32
        %sign3A_346 = vector.broadcast %sign3A_345 : i32 to vector<16xi32>
        %sign3A_347 = arith.ori %sign3A_346, %sign3A_344 : vector<16xi32>
        %sign3A_348 = tpu.bitcast %sign3A_347 : vector<16xi32> -> vector<16xf32>
        %sign3A_349 = math.absf %add3A_335 : vector<16xf32>
        %sign3A_350 = arith.constant 0.000000e+00 : f32
        %sign3A_351 = vector.broadcast %sign3A_350 : f32 to vector<16xf32>
        %sign3A_352 = arith.cmpf ogt, %sign3A_349, %sign3A_351 : vector<16xf32>
        %sign3A_353 = arith.select %sign3A_352, %sign3A_348, %add3A_335 : vector<16xi1>, vector<16xf32>
        %sub3A_354 = arith.constant 1.000000e+00 : f32
        %sub3A_355 = vector.broadcast %sub3A_354 : f32 to vector<16xf32>
        %sub3A_356 = arith.subf %sub3A_355, %exp3A_340 : vector<16xf32>
        %add3A_357 = arith.constant 1.000000e+00 : f32
        %add3A_358 = vector.broadcast %add3A_357 : f32 to vector<16xf32>
        %add3A_359 = arith.addf %add3A_358, %exp3A_340 : vector<16xf32>
        %div3A_360 = arith.divf %sub3A_356, %add3A_359 : vector<16xf32>
        %mul3A_361 = arith.mulf %sign3A_353, %div3A_360 : vector<16xf32>
        %swap3A_362 = arith.index_cast %add3A_116 : i32 to index
        %swap3A_363 = arith.constant 96 : index
        %swap3A_364 = tpu.vector_load %arg10[%swap3A_362, %swap3A_363] {strides = array<i32>} : memref<128x128xf32, #tpu.memory_space<vmem>>, vector<16xf32>,
        tpu.vector_store %arg10[%swap3A_362, %swap3A_363], %mul3A_361 {strides = array<i32>} : memref<128x128xf32, #tpu.memory_space<vmem>>, vector<16xf32>,
        %get3A_365 = arith.index_cast %add3A_116 : i32 to index
        %get3A_366 = arith.constant 112 : index
        %get3A_367 = tpu.vector_load %arg10[%get3A_365, %get3A_366] {strides = array<i32>} : memref<128x128xf32, #tpu.memory_space<vmem>>, vector<16xf32>,
        %get3A_368 = arith.index_cast %add3A_116 : i32 to index
        %get3A_369 = arith.constant 112 : index
        %get3A_370 = tpu.vector_load %arg11[%get3A_368, %get3A_369] {strides = array<i32>} : memref<128x128xf32, #tpu.memory_space<vmem>>, vector<16xf32>,
        %add3A_371 = arith.addf %get3A_367, %get3A_370 : vector<16xf32>
        %abs3A_372 = math.absf %add3A_371 : vector<16xf32>
        %mul3A_373 = arith.constant -2.000000e+00 : f32
        %mul3A_374 = vector.broadcast %mul3A_373 : f32 to vector<16xf32>
        %mul3A_375 = arith.mulf %abs3A_372, %mul3A_374 : vector<16xf32>
        %exp3A_376 = math.exp %mul3A_375 : vector<16xf32>
        %sign3A_377 = tpu.bitcast %add3A_371 : vector<16xf32> -> vector<16xi32>
        %sign3A_378 = arith.constant -2147483648 : i32
        %sign3A_379 = vector.broadcast %sign3A_378 : i32 to vector<16xi32>
        %sign3A_380 = arith.andi %sign3A_377, %sign3A_379 : vector<16xi32>
        %sign3A_381 = arith.constant 1065353216 : i32
        %sign3A_382 = vector.broadcast %sign3A_381 : i32 to vector<16xi32>
        %sign3A_383 = arith.ori %sign3A_382, %sign3A_380 : vector<16xi32>
        %sign3A_384 = tpu.bitcast %sign3A_383 : vector<16xi32> -> vector<16xf32>
        %sign3A_385 = math.absf %add3A_371 : vector<16xf32>
        %sign3A_386 = arith.constant 0.000000e+00 : f32
        %sign3A_387 = vector.broadcast %sign3A_386 : f32 to vector<16xf32>
        %sign3A_388 = arith.cmpf ogt, %sign3A_385, %sign3A_387 : vector<16xf32>
        %sign3A_389 = arith.select %sign3A_388, %sign3A_384, %add3A_371 : vector<16xi1>, vector<16xf32>
        %sub3A_390 = arith.constant 1.000000e+00 : f32
        %sub3A_391 = vector.broadcast %sub3A_390 : f32 to vector<16xf32>
        %sub3A_392 = arith.subf %sub3A_391, %exp3A_376 : vector<16xf32>
        %add3A_393 = arith.constant 1.000000e+00 : f32
        %add3A_394 = vector.broadcast %add3A_393 : f32 to vector<16xf32>
        %add3A_395 = arith.addf %add3A_394, %exp3A_376 : vector<16xf32>
        %div3A_396 = arith.divf %sub3A_392, %add3A_395 : vector<16xf32>
        %mul3A_397 = arith.mulf %sign3A_389, %div3A_396 : vector<16xf32>
        %swap3A_398 = arith.index_cast %add3A_116 : i32 to index
        %swap3A_399 = arith.constant 112 : index
        %swap3A_400 = tpu.vector_load %arg10[%swap3A_398, %swap3A_399] {strides = array<i32>} : memref<128x128xf32, #tpu.memory_space<vmem>>, vector<16xf32>,
        tpu.vector_store %arg10[%swap3A_398, %swap3A_399], %mul3A_397 {strides = array<i32>} : memref<128x128xf32, #tpu.memory_space<vmem>>, vector<16xf32>,
      }
      %scan3A_111 = arith.constant 128 : i32
      "tpu.region"() ({
        %run_scoped3A = tpu.sem_alloc : memref<!tpu.dma_semaphore, #tpu.memory_space<semaphore_mem>>
        %dma_start3A_112 = arith.constant 0 : i32
        %dma_start3A_113 = arith.constant 0 : i32
        %dma_start3A_114 = tpu.memref_slice %arg13[%dma_start3A_112, %dma_start3A_113] : memref<10000x128xf32, #tpu.memory_space<vmem_shared>> -> memref<10000x128xf32, #tpu.memory_space<vmem_shared>>
        tpu.enqueue_indirect_dma source(%arg10 : memref<128x128xf32, #tpu.memory_space<vmem>>) target(%dma_start3A_114 : memref<10000x128xf32, #tpu.memory_space<vmem_shared>>) offsets(%arg9 : memref<128xi32, #tpu.memory_space<vmem>>) semaphore(%run_scoped3A : memref<!tpu.dma_semaphore, #tpu.memory_space<semaphore_mem>>) {add = true}
        %dma_wait3A_115 = arith.constant 0 : i32
        %dma_wait3A_116 = arith.constant 0 : i32
        %dma_wait3A_117 = tpu.memref_slice %arg13[%dma_wait3A_115, %dma_wait3A_116] : memref<10000x128xf32, #tpu.memory_space<vmem_shared>> -> memref<10000x128xf32, #tpu.memory_space<vmem_shared>>
        tpu.wait_indirect_dma semaphore(%run_scoped3A : memref<!tpu.dma_semaphore, #tpu.memory_space<semaphore_mem>>) src(%arg10 : memref<128x128xf32, #tpu.memory_space<vmem>>) dst(%dma_wait3A_117 : memref<10000x128xf32, #tpu.memory_space<vmem_shared>>)
        tpu.yield
      }) : () -> ()
    }
    %while3A_45 = arith.constant 1 : i32
    scf.for %while3A_67 = %while3A_43 to %while3A_39 step %while3A_45  : i32 {
      %mul3A_68 = arith.muli %while3A_67, %while3A_36 : i32
      %add3A_69 = arith.addi %add3A, %mul3A_68 : i32
      %mul3A_70 = arith.constant 128 : i32
      %mul3A_71 = arith.muli %add3A_69, %mul3A_70 : i32
      %dma_start3A = tpu.memref_slice %arg4[%mul3A_71] : memref<320000xi32, #tpu.memory_space<hbm>> -> memref<128xi32, #tpu.memory_space<hbm>>
      %dma_start3A_72 = tpu.memref_slice %arg4[%mul3A_71] : memref<320000xi32, #tpu.memory_space<hbm>> -> memref<128xi32, #tpu.memory_space<hbm>>
      tpu.enqueue_dma source(%dma_start3A_72 : memref<128xi32, #tpu.memory_space<hbm>>) target(%arg8 : memref<128xi32, #tpu.memory_space<vmem>>) target_semaphore(%arg14 : memref<!tpu.dma_semaphore, #tpu.memory_space<semaphore_mem>>)
      %dma_start3A_73 = tpu.memref_slice %arg5[%mul3A_71] : memref<320000xi32, #tpu.memory_space<hbm>> -> memref<128xi32, #tpu.memory_space<hbm>>
      %dma_start3A_74 = tpu.memref_slice %arg5[%mul3A_71] : memref<320000xi32, #tpu.memory_space<hbm>> -> memref<128xi32, #tpu.memory_space<hbm>>
      tpu.enqueue_dma source(%dma_start3A_74 : memref<128xi32, #tpu.memory_space<hbm>>) target(%arg9 : memref<128xi32, #tpu.memory_space<vmem>>) target_semaphore(%arg15 : memref<!tpu.dma_semaphore, #tpu.memory_space<semaphore_mem>>)
      %dma_start3A_75 = arith.constant 0 : i32
      %dma_start3A_76 = tpu.memref_slice %arg3[%mul3A_71, %dma_start3A_75] : memref<320000x128xf32, #tpu.memory_space<hbm>> -> memref<128x128xf32, #tpu.memory_space<hbm>>
      %dma_start3A_77 = arith.constant 0 : i32
      %dma_start3A_78 = tpu.memref_slice %arg3[%mul3A_71, %dma_start3A_77] : memref<320000x128xf32, #tpu.memory_space<hbm>> -> memref<128x128xf32, #tpu.memory_space<hbm>>
      tpu.enqueue_dma source(%dma_start3A_78 : memref<128x128xf32, #tpu.memory_space<hbm>>) target(%arg11 : memref<128x128xf32, #tpu.memory_space<vmem>>) target_semaphore(%arg16 : memref<!tpu.dma_semaphore, #tpu.memory_space<semaphore_mem>>)
      %dma_wait3A = tpu.memref_slice %arg4[%mul3A_71] : memref<320000xi32, #tpu.memory_space<hbm>> -> memref<128xi32, #tpu.memory_space<hbm>>
      %dma_wait3A_79 = tpu.memref_slice %arg4[%mul3A_71] : memref<320000xi32, #tpu.memory_space<hbm>> -> memref<128xi32, #tpu.memory_space<hbm>>
      tpu.wait_dma2 semaphore(%arg14 : memref<!tpu.dma_semaphore, #tpu.memory_space<semaphore_mem>>) src(%dma_wait3A_79 : memref<128xi32, #tpu.memory_space<hbm>>) dst(%arg8 : memref<128xi32, #tpu.memory_space<vmem>>)
      %dma_start3A_80 = arith.constant 0 : i32
      %dma_start3A_81 = arith.constant 0 : i32
      %dma_start3A_82 = tpu.memref_slice %arg2[%dma_start3A_80, %dma_start3A_81] : memref<10000x128xf32, #tpu.memory_space<hbm>> -> memref<10000x128xf32, #tpu.memory_space<hbm>>
      tpu.enqueue_indirect_dma source(%dma_start3A_82 : memref<10000x128xf32, #tpu.memory_space<hbm>>) target(%arg10 : memref<128x128xf32, #tpu.memory_space<vmem>>) offsets(%arg8 : memref<128xi32, #tpu.memory_space<vmem>>) semaphore(%arg17 : memref<!tpu.dma_semaphore, #tpu.memory_space<semaphore_mem>>)
      %dma_wait3A_83 = tpu.memref_slice %arg5[%mul3A_71] : memref<320000xi32, #tpu.memory_space<hbm>> -> memref<128xi32, #tpu.memory_space<hbm>>
      %dma_wait3A_84 = tpu.memref_slice %arg5[%mul3A_71] : memref<320000xi32, #tpu.memory_space<hbm>> -> memref<128xi32, #tpu.memory_space<hbm>>
      tpu.wait_dma2 semaphore(%arg15 : memref<!tpu.dma_semaphore, #tpu.memory_space<semaphore_mem>>) src(%dma_wait3A_84 : memref<128xi32, #tpu.memory_space<hbm>>) dst(%arg9 : memref<128xi32, #tpu.memory_space<vmem>>)
      %get3A = arith.constant 0 : index
      %get3A_85 = tpu.vector_load %arg9[%get3A] {strides = array<i32>} : memref<128xi32, #tpu.memory_space<vmem>>, vector<16xi32>,
      tpu.vector_store_idx %arg12[%get3A_85], %broadcast_in_dim3A_3 {add = true} : memref<10000xf32, #tpu.memory_space<vmem>>[vector<16xi32>], vector<16xf32>,
      %get3A_86 = arith.constant 16 : index
      %get3A_87 = tpu.vector_load %arg9[%get3A_86] {strides = array<i32>} : memref<128xi32, #tpu.memory_space<vmem>>, vector<16xi32>,
      tpu.vector_store_idx %arg12[%get3A_87], %broadcast_in_dim3A_3 {add = true} : memref<10000xf32, #tpu.memory_space<vmem>>[vector<16xi32>], vector<16xf32>,
      %get3A_88 = arith.constant 32 : index
      %get3A_89 = tpu.vector_load %arg9[%get3A_88] {strides = array<i32>} : memref<128xi32, #tpu.memory_space<vmem>>, vector<16xi32>,
      tpu.vector_store_idx %arg12[%get3A_89], %broadcast_in_dim3A_3 {add = true} : memref<10000xf32, #tpu.memory_space<vmem>>[vector<16xi32>], vector<16xf32>,
      %get3A_90 = arith.constant 48 : index
      %get3A_91 = tpu.vector_load %arg9[%get3A_90] {strides = array<i32>} : memref<128xi32, #tpu.memory_space<vmem>>, vector<16xi32>,
      tpu.vector_store_idx %arg12[%get3A_91], %broadcast_in_dim3A_3 {add = true} : memref<10000xf32, #tpu.memory_space<vmem>>[vector<16xi32>], vector<16xf32>,
      %get3A_92 = arith.constant 64 : index
      %get3A_93 = tpu.vector_load %arg9[%get3A_92] {strides = array<i32>} : memref<128xi32, #tpu.memory_space<vmem>>, vector<16xi32>,
      tpu.vector_store_idx %arg12[%get3A_93], %broadcast_in_dim3A_3 {add = true} : memref<10000xf32, #tpu.memory_space<vmem>>[vector<16xi32>], vector<16xf32>,
      %get3A_94 = arith.constant 80 : index
      %get3A_95 = tpu.vector_load %arg9[%get3A_94] {strides = array<i32>} : memref<128xi32, #tpu.memory_space<vmem>>, vector<16xi32>,
      tpu.vector_store_idx %arg12[%get3A_95], %broadcast_in_dim3A_3 {add = true} : memref<10000xf32, #tpu.memory_space<vmem>>[vector<16xi32>], vector<16xf32>,
      %get3A_96 = arith.constant 96 : index
      %get3A_97 = tpu.vector_load %arg9[%get3A_96] {strides = array<i32>} : memref<128xi32, #tpu.memory_space<vmem>>, vector<16xi32>,
      tpu.vector_store_idx %arg12[%get3A_97], %broadcast_in_dim3A_3 {add = true} : memref<10000xf32, #tpu.memory_space<vmem>>[vector<16xi32>], vector<16xf32>,
      %get3A_98 = arith.constant 112 : index
      %get3A_99 = tpu.vector_load %arg9[%get3A_98] {strides = array<i32>} : memref<128xi32, #tpu.memory_space<vmem>>, vector<16xi32>,
      tpu.vector_store_idx %arg12[%get3A_99], %broadcast_in_dim3A_3 {add = true} : memref<10000xf32, #tpu.memory_space<vmem>>[vector<16xi32>], vector<16xf32>,
      %dma_wait3A_100 = arith.constant 0 : i32
      %dma_wait3A_101 = tpu.memref_slice %arg3[%mul3A_71, %dma_wait3A_100] : memref<320000x128xf32, #tpu.memory_space<hbm>> -> memref<128x128xf32, #tpu.memory_space<hbm>>
      %dma_wait3A_102 = arith.constant 0 : i32
      %dma_wait3A_103 = tpu.memref_slice %arg3[%mul3A_71, %dma_wait3A_102] : memref<320000x128xf32, #tpu.memory_space<hbm>> -> memref<128x128xf32, #tpu.memory_space<hbm>>
      tpu.wait_dma2 semaphore(%arg16 : memref<!tpu.dma_semaphore, #tpu.memory_space<semaphore_mem>>) src(%dma_wait3A_103 : memref<128x128xf32, #tpu.memory_space<hbm>>) dst(%arg11 : memref<128x128xf32, #tpu.memory_space<vmem>>)
      %dma_wait3A_104 = arith.constant 0 : i32
      %dma_wait3A_105 = arith.constant 0 : i32
      %dma_wait3A_106 = tpu.memref_slice %arg2[%dma_wait3A_104, %dma_wait3A_105] : memref<10000x128xf32, #tpu.memory_space<hbm>> -> memref<10000x128xf32, #tpu.memory_space<hbm>>
      tpu.wait_indirect_dma semaphore(%arg17 : memref<!tpu.dma_semaphore, #tpu.memory_space<semaphore_mem>>) src(%dma_wait3A_106 : memref<10000x128xf32, #tpu.memory_space<hbm>>) dst(%arg10 : memref<128x128xf32, #tpu.memory_space<vmem>>)
      %scan3A_107 = arith.constant 0 : i32
      %scan3A_108 = arith.constant 128 : i32
      %scan3A_109 = arith.addi %scan3A_107, %scan3A_108 : i32
      %scan3A_110 = arith.constant 1 : i32
      scf.for %scan3A_112 = %scan3A_107 to %scan3A_109 step %scan3A_110  : i32 {
        %mul3A_113 = arith.constant 1 : i32
        %mul3A_114 = arith.muli %scan3A_112, %mul3A_113 : i32
        %add3A_115 = arith.constant 0 : i32
        %add3A_116 = arith.addi %add3A_115, %mul3A_114 : i32
        %get3A_117 = arith.index_cast %add3A_116 : i32 to index
        %get3A_118 = arith.constant 0 : index
        %get3A_119 = tpu.vector_load %arg10[%get3A_117, %get3A_118] {strides = array<i32>} : memref<128x128xf32, #tpu.memory_space<vmem>>, vector<16xf32>,
        %get3A_120 = arith.index_cast %add3A_116 : i32 to index
        %get3A_121 = arith.constant 0 : index
        %get3A_122 = tpu.vector_load %arg11[%get3A_120, %get3A_121] {strides = array<i32>} : memref<128x128xf32, #tpu.memory_space<vmem>>, vector<16xf32>,
        %add3A_123 = arith.addf %get3A_119, %get3A_122 : vector<16xf32>
        %abs3A = math.absf %add3A_123 : vector<16xf32>
        %mul3A_124 = arith.constant -2.000000e+00 : f32
        %mul3A_125 = vector.broadcast %mul3A_124 : f32 to vector<16xf32>
        %mul3A_126 = arith.mulf %abs3A, %mul3A_125 : vector<16xf32>
        %exp3A = math.exp %mul3A_126 : vector<16xf32>
        %sign3A = tpu.bitcast %add3A_123 : vector<16xf32> -> vector<16xi32>
        %sign3A_127 = arith.constant -2147483648 : i32
        %sign3A_128 = vector.broadcast %sign3A_127 : i32 to vector<16xi32>
        %sign3A_129 = arith.andi %sign3A, %sign3A_128 : vector<16xi32>
        %sign3A_130 = arith.constant 1065353216 : i32
        %sign3A_131 = vector.broadcast %sign3A_130 : i32 to vector<16xi32>
        %sign3A_132 = arith.ori %sign3A_131, %sign3A_129 : vector<16xi32>
        %sign3A_133 = tpu.bitcast %sign3A_132 : vector<16xi32> -> vector<16xf32>
        %sign3A_134 = math.absf %add3A_123 : vector<16xf32>
        %sign3A_135 = arith.constant 0.000000e+00 : f32
        %sign3A_136 = vector.broadcast %sign3A_135 : f32 to vector<16xf32>
        %sign3A_137 = arith.cmpf ogt, %sign3A_134, %sign3A_136 : vector<16xf32>
        %sign3A_138 = arith.select %sign3A_137, %sign3A_133, %add3A_123 : vector<16xi1>, vector<16xf32>
        %sub3A_139 = arith.constant 1.000000e+00 : f32
        %sub3A_140 = vector.broadcast %sub3A_139 : f32 to vector<16xf32>
        %sub3A_141 = arith.subf %sub3A_140, %exp3A : vector<16xf32>
        %add3A_142 = arith.constant 1.000000e+00 : f32
        %add3A_143 = vector.broadcast %add3A_142 : f32 to vector<16xf32>
        %add3A_144 = arith.addf %add3A_143, %exp3A : vector<16xf32>
        %div3A_145 = arith.divf %sub3A_141, %add3A_144 : vector<16xf32>
        %mul3A_146 = arith.mulf %sign3A_138, %div3A_145 : vector<16xf32>
        %swap3A = arith.index_cast %add3A_116 : i32 to index
        %swap3A_147 = arith.constant 0 : index
        %swap3A_148 = tpu.vector_load %arg10[%swap3A, %swap3A_147] {strides = array<i32>} : memref<128x128xf32, #tpu.memory_space<vmem>>, vector<16xf32>,
        tpu.vector_store %arg10[%swap3A, %swap3A_147], %mul3A_146 {strides = array<i32>} : memref<128x128xf32, #tpu.memory_space<vmem>>, vector<16xf32>,
        %get3A_149 = arith.index_cast %add3A_116 : i32 to index
        %get3A_150 = arith.constant 16 : index
        %get3A_151 = tpu.vector_load %arg10[%get3A_149, %get3A_150] {strides = array<i32>} : memref<128x128xf32, #tpu.memory_space<vmem>>, vector<16xf32>,
        %get3A_152 = arith.index_cast %add3A_116 : i32 to index
        %get3A_153 = arith.constant 16 : index
        %get3A_154 = tpu.vector_load %arg11[%get3A_152, %get3A_153] {strides = array<i32>} : memref<128x128xf32, #tpu.memory_space<vmem>>, vector<16xf32>,
        %add3A_155 = arith.addf %get3A_151, %get3A_154 : vector<16xf32>
        %abs3A_156 = math.absf %add3A_155 : vector<16xf32>
        %mul3A_157 = arith.constant -2.000000e+00 : f32
        %mul3A_158 = vector.broadcast %mul3A_157 : f32 to vector<16xf32>
        %mul3A_159 = arith.mulf %abs3A_156, %mul3A_158 : vector<16xf32>
        %exp3A_160 = math.exp %mul3A_159 : vector<16xf32>
        %sign3A_161 = tpu.bitcast %add3A_155 : vector<16xf32> -> vector<16xi32>
        %sign3A_162 = arith.constant -2147483648 : i32
        %sign3A_163 = vector.broadcast %sign3A_162 : i32 to vector<16xi32>
        %sign3A_164 = arith.andi %sign3A_161, %sign3A_163 : vector<16xi32>
        %sign3A_165 = arith.constant 1065353216 : i32
        %sign3A_166 = vector.broadcast %sign3A_165 : i32 to vector<16xi32>
        %sign3A_167 = arith.ori %sign3A_166, %sign3A_164 : vector<16xi32>
        %sign3A_168 = tpu.bitcast %sign3A_167 : vector<16xi32> -> vector<16xf32>
        %sign3A_169 = math.absf %add3A_155 : vector<16xf32>
        %sign3A_170 = arith.constant 0.000000e+00 : f32
        %sign3A_171 = vector.broadcast %sign3A_170 : f32 to vector<16xf32>
        %sign3A_172 = arith.cmpf ogt, %sign3A_169, %sign3A_171 : vector<16xf32>
        %sign3A_173 = arith.select %sign3A_172, %sign3A_168, %add3A_155 : vector<16xi1>, vector<16xf32>
        %sub3A_174 = arith.constant 1.000000e+00 : f32
        %sub3A_175 = vector.broadcast %sub3A_174 : f32 to vector<16xf32>
        %sub3A_176 = arith.subf %sub3A_175, %exp3A_160 : vector<16xf32>
        %add3A_177 = arith.constant 1.000000e+00 : f32
        %add3A_178 = vector.broadcast %add3A_177 : f32 to vector<16xf32>
        %add3A_179 = arith.addf %add3A_178, %exp3A_160 : vector<16xf32>
        %div3A_180 = arith.divf %sub3A_176, %add3A_179 : vector<16xf32>
        %mul3A_181 = arith.mulf %sign3A_173, %div3A_180 : vector<16xf32>
        %swap3A_182 = arith.index_cast %add3A_116 : i32 to index
        %swap3A_183 = arith.constant 16 : index
        %swap3A_184 = tpu.vector_load %arg10[%swap3A_182, %swap3A_183] {strides = array<i32>} : memref<128x128xf32, #tpu.memory_space<vmem>>, vector<16xf32>,
        tpu.vector_store %arg10[%swap3A_182, %swap3A_183], %mul3A_181 {strides = array<i32>} : memref<128x128xf32, #tpu.memory_space<vmem>>, vector<16xf32>,
        %get3A_185 = arith.index_cast %add3A_116 : i32 to index
        %get3A_186 = arith.constant 32 : index
        %get3A_187 = tpu.vector_load %arg10[%get3A_185, %get3A_186] {strides = array<i32>} : memref<128x128xf32, #tpu.memory_space<vmem>>, vector<16xf32>,
        %get3A_188 = arith.index_cast %add3A_116 : i32 to index
        %get3A_189 = arith.constant 32 : index
        %get3A_190 = tpu.vector_load %arg11[%get3A_188, %get3A_189] {strides = array<i32>} : memref<128x128xf32, #tpu.memory_space<vmem>>, vector<16xf32>,
        %add3A_191 = arith.addf %get3A_187, %get3A_190 : vector<16xf32>
        %abs3A_192 = math.absf %add3A_191 : vector<16xf32>
        %mul3A_193 = arith.constant -2.000000e+00 : f32
        %mul3A_194 = vector.broadcast %mul3A_193 : f32 to vector<16xf32>
        %mul3A_195 = arith.mulf %abs3A_192, %mul3A_194 : vector<16xf32>
        %exp3A_196 = math.exp %mul3A_195 : vector<16xf32>
        %sign3A_197 = tpu.bitcast %add3A_191 : vector<16xf32> -> vector<16xi32>
        %sign3A_198 = arith.constant -2147483648 : i32
        %sign3A_199 = vector.broadcast %sign3A_198 : i32 to vector<16xi32>
        %sign3A_200 = arith.andi %sign3A_197, %sign3A_199 : vector<16xi32>
        %sign3A_201 = arith.constant 1065353216 : i32
        %sign3A_202 = vector.broadcast %sign3A_201 : i32 to vector<16xi32>
        %sign3A_203 = arith.ori %sign3A_202, %sign3A_200 : vector<16xi32>
        %sign3A_204 = tpu.bitcast %sign3A_203 : vector<16xi32> -> vector<16xf32>
        %sign3A_205 = math.absf %add3A_191 : vector<16xf32>
        %sign3A_206 = arith.constant 0.000000e+00 : f32
        %sign3A_207 = vector.broadcast %sign3A_206 : f32 to vector<16xf32>
        %sign3A_208 = arith.cmpf ogt, %sign3A_205, %sign3A_207 : vector<16xf32>
        %sign3A_209 = arith.select %sign3A_208, %sign3A_204, %add3A_191 : vector<16xi1>, vector<16xf32>
        %sub3A_210 = arith.constant 1.000000e+00 : f32
        %sub3A_211 = vector.broadcast %sub3A_210 : f32 to vector<16xf32>
        %sub3A_212 = arith.subf %sub3A_211, %exp3A_196 : vector<16xf32>
        %add3A_213 = arith.constant 1.000000e+00 : f32
        %add3A_214 = vector.broadcast %add3A_213 : f32 to vector<16xf32>
        %add3A_215 = arith.addf %add3A_214, %exp3A_196 : vector<16xf32>
        %div3A_216 = arith.divf %sub3A_212, %add3A_215 : vector<16xf32>
        %mul3A_217 = arith.mulf %sign3A_209, %div3A_216 : vector<16xf32>
        %swap3A_218 = arith.index_cast %add3A_116 : i32 to index
        %swap3A_219 = arith.constant 32 : index
        %swap3A_220 = tpu.vector_load %arg10[%swap3A_218, %swap3A_219] {strides = array<i32>} : memref<128x128xf32, #tpu.memory_space<vmem>>, vector<16xf32>,
        tpu.vector_store %arg10[%swap3A_218, %swap3A_219], %mul3A_217 {strides = array<i32>} : memref<128x128xf32, #tpu.memory_space<vmem>>, vector<16xf32>,
        %get3A_221 = arith.index_cast %add3A_116 : i32 to index
        %get3A_222 = arith.constant 48 : index
        %get3A_223 = tpu.vector_load %arg10[%get3A_221, %get3A_222] {strides = array<i32>} : memref<128x128xf32, #tpu.memory_space<vmem>>, vector<16xf32>,
        %get3A_224 = arith.index_cast %add3A_116 : i32 to index
        %get3A_225 = arith.constant 48 : index
        %get3A_226 = tpu.vector_load %arg11[%get3A_224, %get3A_225] {strides = array<i32>} : memref<128x128xf32, #tpu.memory_space<vmem>>, vector<16xf32>,
        %add3A_227 = arith.addf %get3A_223, %get3A_226 : vector<16xf32>
        %abs3A_228 = math.absf %add3A_227 : vector<16xf32>
        %mul3A_229 = arith.constant -2.000000e+00 : f32
        %mul3A_230 = vector.broadcast %mul3A_229 : f32 to vector<16xf32>
        %mul3A_231 = arith.mulf %abs3A_228, %mul3A_230 : vector<16xf32>
        %exp3A_232 = math.exp %mul3A_231 : vector<16xf32>
        %sign3A_233 = tpu.bitcast %add3A_227 : vector<16xf32> -> vector<16xi32>
        %sign3A_234 = arith.constant -2147483648 : i32
        %sign3A_235 = vector.broadcast %sign3A_234 : i32 to vector<16xi32>
        %sign3A_236 = arith.andi %sign3A_233, %sign3A_235 : vector<16xi32>
        %sign3A_237 = arith.constant 1065353216 : i32
        %sign3A_238 = vector.broadcast %sign3A_237 : i32 to vector<16xi32>
        %sign3A_239 = arith.ori %sign3A_238, %sign3A_236 : vector<16xi32>
        %sign3A_240 = tpu.bitcast %sign3A_239 : vector<16xi32> -> vector<16xf32>
        %sign3A_241 = math.absf %add3A_227 : vector<16xf32>
        %sign3A_242 = arith.constant 0.000000e+00 : f32
        %sign3A_243 = vector.broadcast %sign3A_242 : f32 to vector<16xf32>
        %sign3A_244 = arith.cmpf ogt, %sign3A_241, %sign3A_243 : vector<16xf32>
        %sign3A_245 = arith.select %sign3A_244, %sign3A_240, %add3A_227 : vector<16xi1>, vector<16xf32>
        %sub3A_246 = arith.constant 1.000000e+00 : f32
        %sub3A_247 = vector.broadcast %sub3A_246 : f32 to vector<16xf32>
        %sub3A_248 = arith.subf %sub3A_247, %exp3A_232 : vector<16xf32>
        %add3A_249 = arith.constant 1.000000e+00 : f32
        %add3A_250 = vector.broadcast %add3A_249 : f32 to vector<16xf32>
        %add3A_251 = arith.addf %add3A_250, %exp3A_232 : vector<16xf32>
        %div3A_252 = arith.divf %sub3A_248, %add3A_251 : vector<16xf32>
        %mul3A_253 = arith.mulf %sign3A_245, %div3A_252 : vector<16xf32>
        %swap3A_254 = arith.index_cast %add3A_116 : i32 to index
        %swap3A_255 = arith.constant 48 : index
        %swap3A_256 = tpu.vector_load %arg10[%swap3A_254, %swap3A_255] {strides = array<i32>} : memref<128x128xf32, #tpu.memory_space<vmem>>, vector<16xf32>,
        tpu.vector_store %arg10[%swap3A_254, %swap3A_255], %mul3A_253 {strides = array<i32>} : memref<128x128xf32, #tpu.memory_space<vmem>>, vector<16xf32>,
        %get3A_257 = arith.index_cast %add3A_116 : i32 to index
        %get3A_258 = arith.constant 64 : index
        %get3A_259 = tpu.vector_load %arg10[%get3A_257, %get3A_258] {strides = array<i32>} : memref<128x128xf32, #tpu.memory_space<vmem>>, vector<16xf32>,
        %get3A_260 = arith.index_cast %add3A_116 : i32 to index
        %get3A_261 = arith.constant 64 : index
        %get3A_262 = tpu.vector_load %arg11[%get3A_260, %get3A_261] {strides = array<i32>} : memref<128x128xf32, #tpu.memory_space<vmem>>, vector<16xf32>,
        %add3A_263 = arith.addf %get3A_259, %get3A_262 : vector<16xf32>
        %abs3A_264 = math.absf %add3A_263 : vector<16xf32>
        %mul3A_265 = arith.constant -2.000000e+00 : f32
        %mul3A_266 = vector.broadcast %mul3A_265 : f32 to vector<16xf32>
        %mul3A_267 = arith.mulf %abs3A_264, %mul3A_266 : vector<16xf32>
        %exp3A_268 = math.exp %mul3A_267 : vector<16xf32>
        %sign3A_269 = tpu.bitcast %add3A_263 : vector<16xf32> -> vector<16xi32>
        %sign3A_270 = arith.constant -2147483648 : i32
        %sign3A_271 = vector.broadcast %sign3A_270 : i32 to vector<16xi32>
        %sign3A_272 = arith.andi %sign3A_269, %sign3A_271 : vector<16xi32>
        %sign3A_273 = arith.constant 1065353216 : i32
        %sign3A_274 = vector.broadcast %sign3A_273 : i32 to vector<16xi32>
        %sign3A_275 = arith.ori %sign3A_274, %sign3A_272 : vector<16xi32>
        %sign3A_276 = tpu.bitcast %sign3A_275 : vector<16xi32> -> vector<16xf32>
        %sign3A_277 = math.absf %add3A_263 : vector<16xf32>
        %sign3A_278 = arith.constant 0.000000e+00 : f32
        %sign3A_279 = vector.broadcast %sign3A_278 : f32 to vector<16xf32>
        %sign3A_280 = arith.cmpf ogt, %sign3A_277, %sign3A_279 : vector<16xf32>
        %sign3A_281 = arith.select %sign3A_280, %sign3A_276, %add3A_263 : vector<16xi1>, vector<16xf32>
        %sub3A_282 = arith.constant 1.000000e+00 : f32
        %sub3A_283 = vector.broadcast %sub3A_282 : f32 to vector<16xf32>
        %sub3A_284 = arith.subf %sub3A_283, %exp3A_268 : vector<16xf32>
        %add3A_285 = arith.constant 1.000000e+00 : f32
        %add3A_286 = vector.broadcast %add3A_285 : f32 to vector<16xf32>
        %add3A_287 = arith.addf %add3A_286, %exp3A_268 : vector<16xf32>
        %div3A_288 = arith.divf %sub3A_284, %add3A_287 : vector<16xf32>
        %mul3A_289 = arith.mulf %sign3A_281, %div3A_288 : vector<16xf32>
        %swap3A_290 = arith.index_cast %add3A_116 : i32 to index
        %swap3A_291 = arith.constant 64 : index
        %swap3A_292 = tpu.vector_load %arg10[%swap3A_290, %swap3A_291] {strides = array<i32>} : memref<128x128xf32, #tpu.memory_space<vmem>>, vector<16xf32>,
        tpu.vector_store %arg10[%swap3A_290, %swap3A_291], %mul3A_289 {strides = array<i32>} : memref<128x128xf32, #tpu.memory_space<vmem>>, vector<16xf32>,
        %get3A_293 = arith.index_cast %add3A_116 : i32 to index
        %get3A_294 = arith.constant 80 : index
        %get3A_295 = tpu.vector_load %arg10[%get3A_293, %get3A_294] {strides = array<i32>} : memref<128x128xf32, #tpu.memory_space<vmem>>, vector<16xf32>,
        %get3A_296 = arith.index_cast %add3A_116 : i32 to index
        %get3A_297 = arith.constant 80 : index
        %get3A_298 = tpu.vector_load %arg11[%get3A_296, %get3A_297] {strides = array<i32>} : memref<128x128xf32, #tpu.memory_space<vmem>>, vector<16xf32>,
        %add3A_299 = arith.addf %get3A_295, %get3A_298 : vector<16xf32>
        %abs3A_300 = math.absf %add3A_299 : vector<16xf32>
        %mul3A_301 = arith.constant -2.000000e+00 : f32
        %mul3A_302 = vector.broadcast %mul3A_301 : f32 to vector<16xf32>
        %mul3A_303 = arith.mulf %abs3A_300, %mul3A_302 : vector<16xf32>
        %exp3A_304 = math.exp %mul3A_303 : vector<16xf32>
        %sign3A_305 = tpu.bitcast %add3A_299 : vector<16xf32> -> vector<16xi32>
        %sign3A_306 = arith.constant -2147483648 : i32
        %sign3A_307 = vector.broadcast %sign3A_306 : i32 to vector<16xi32>
        %sign3A_308 = arith.andi %sign3A_305, %sign3A_307 : vector<16xi32>
        %sign3A_309 = arith.constant 1065353216 : i32
        %sign3A_310 = vector.broadcast %sign3A_309 : i32 to vector<16xi32>
        %sign3A_311 = arith.ori %sign3A_310, %sign3A_308 : vector<16xi32>
        %sign3A_312 = tpu.bitcast %sign3A_311 : vector<16xi32> -> vector<16xf32>
        %sign3A_313 = math.absf %add3A_299 : vector<16xf32>
        %sign3A_314 = arith.constant 0.000000e+00 : f32
        %sign3A_315 = vector.broadcast %sign3A_314 : f32 to vector<16xf32>
        %sign3A_316 = arith.cmpf ogt, %sign3A_313, %sign3A_315 : vector<16xf32>
        %sign3A_317 = arith.select %sign3A_316, %sign3A_312, %add3A_299 : vector<16xi1>, vector<16xf32>
        %sub3A_318 = arith.constant 1.000000e+00 : f32
        %sub3A_319 = vector.broadcast %sub3A_318 : f32 to vector<16xf32>
        %sub3A_320 = arith.subf %sub3A_319, %exp3A_304 : vector<16xf32>
        %add3A_321 = arith.constant 1.000000e+00 : f32
        %add3A_322 = vector.broadcast %add3A_321 : f32 to vector<16xf32>
        %add3A_323 = arith.addf %add3A_322, %exp3A_304 : vector<16xf32>
        %div3A_324 = arith.divf %sub3A_320, %add3A_323 : vector<16xf32>
        %mul3A_325 = arith.mulf %sign3A_317, %div3A_324 : vector<16xf32>
        %swap3A_326 = arith.index_cast %add3A_116 : i32 to index
        %swap3A_327 = arith.constant 80 : index
        %swap3A_328 = tpu.vector_load %arg10[%swap3A_326, %swap3A_327] {strides = array<i32>} : memref<128x128xf32, #tpu.memory_space<vmem>>, vector<16xf32>,
        tpu.vector_store %arg10[%swap3A_326, %swap3A_327], %mul3A_325 {strides = array<i32>} : memref<128x128xf32, #tpu.memory_space<vmem>>, vector<16xf32>,
        %get3A_329 = arith.index_cast %add3A_116 : i32 to index
        %get3A_330 = arith.constant 96 : index
        %get3A_331 = tpu.vector_load %arg10[%get3A_329, %get3A_330] {strides = array<i32>} : memref<128x128xf32, #tpu.memory_space<vmem>>, vector<16xf32>,
        %get3A_332 = arith.index_cast %add3A_116 : i32 to index
        %get3A_333 = arith.constant 96 : index
        %get3A_334 = tpu.vector_load %arg11[%get3A_332, %get3A_333] {strides = array<i32>} : memref<128x128xf32, #tpu.memory_space<vmem>>, vector<16xf32>,
        %add3A_335 = arith.addf %get3A_331, %get3A_334 : vector<16xf32>
        %abs3A_336 = math.absf %add3A_335 : vector<16xf32>
        %mul3A_337 = arith.constant -2.000000e+00 : f32
        %mul3A_338 = vector.broadcast %mul3A_337 : f32 to vector<16xf32>
        %mul3A_339 = arith.mulf %abs3A_336, %mul3A_338 : vector<16xf32>
        %exp3A_340 = math.exp %mul3A_339 : vector<16xf32>
        %sign3A_341 = tpu.bitcast %add3A_335 : vector<16xf32> -> vector<16xi32>
        %sign3A_342 = arith.constant -2147483648 : i32
        %sign3A_343 = vector.broadcast %sign3A_342 : i32 to vector<16xi32>
        %sign3A_344 = arith.andi %sign3A_341, %sign3A_343 : vector<16xi32>
        %sign3A_345 = arith.constant 1065353216 : i32
        %sign3A_346 = vector.broadcast %sign3A_345 : i32 to vector<16xi32>
        %sign3A_347 = arith.ori %sign3A_346, %sign3A_344 : vector<16xi32>
        %sign3A_348 = tpu.bitcast %sign3A_347 : vector<16xi32> -> vector<16xf32>
        %sign3A_349 = math.absf %add3A_335 : vector<16xf32>
        %sign3A_350 = arith.constant 0.000000e+00 : f32
        %sign3A_351 = vector.broadcast %sign3A_350 : f32 to vector<16xf32>
        %sign3A_352 = arith.cmpf ogt, %sign3A_349, %sign3A_351 : vector<16xf32>
        %sign3A_353 = arith.select %sign3A_352, %sign3A_348, %add3A_335 : vector<16xi1>, vector<16xf32>
        %sub3A_354 = arith.constant 1.000000e+00 : f32
        %sub3A_355 = vector.broadcast %sub3A_354 : f32 to vector<16xf32>
        %sub3A_356 = arith.subf %sub3A_355, %exp3A_340 : vector<16xf32>
        %add3A_357 = arith.constant 1.000000e+00 : f32
        %add3A_358 = vector.broadcast %add3A_357 : f32 to vector<16xf32>
        %add3A_359 = arith.addf %add3A_358, %exp3A_340 : vector<16xf32>
        %div3A_360 = arith.divf %sub3A_356, %add3A_359 : vector<16xf32>
        %mul3A_361 = arith.mulf %sign3A_353, %div3A_360 : vector<16xf32>
        %swap3A_362 = arith.index_cast %add3A_116 : i32 to index
        %swap3A_363 = arith.constant 96 : index
        %swap3A_364 = tpu.vector_load %arg10[%swap3A_362, %swap3A_363] {strides = array<i32>} : memref<128x128xf32, #tpu.memory_space<vmem>>, vector<16xf32>,
        tpu.vector_store %arg10[%swap3A_362, %swap3A_363], %mul3A_361 {strides = array<i32>} : memref<128x128xf32, #tpu.memory_space<vmem>>, vector<16xf32>,
        %get3A_365 = arith.index_cast %add3A_116 : i32 to index
        %get3A_366 = arith.constant 112 : index
        %get3A_367 = tpu.vector_load %arg10[%get3A_365, %get3A_366] {strides = array<i32>} : memref<128x128xf32, #tpu.memory_space<vmem>>, vector<16xf32>,
        %get3A_368 = arith.index_cast %add3A_116 : i32 to index
        %get3A_369 = arith.constant 112 : index
        %get3A_370 = tpu.vector_load %arg11[%get3A_368, %get3A_369] {strides = array<i32>} : memref<128x128xf32, #tpu.memory_space<vmem>>, vector<16xf32>,
        %add3A_371 = arith.addf %get3A_367, %get3A_370 : vector<16xf32>
        %abs3A_372 = math.absf %add3A_371 : vector<16xf32>
        %mul3A_373 = arith.constant -2.000000e+00 : f32
        %mul3A_374 = vector.broadcast %mul3A_373 : f32 to vector<16xf32>
        %mul3A_375 = arith.mulf %abs3A_372, %mul3A_374 : vector<16xf32>
        %exp3A_376 = math.exp %mul3A_375 : vector<16xf32>
        %sign3A_377 = tpu.bitcast %add3A_371 : vector<16xf32> -> vector<16xi32>
        %sign3A_378 = arith.constant -2147483648 : i32
        %sign3A_379 = vector.broadcast %sign3A_378 : i32 to vector<16xi32>
        %sign3A_380 = arith.andi %sign3A_377, %sign3A_379 : vector<16xi32>
        %sign3A_381 = arith.constant 1065353216 : i32
        %sign3A_382 = vector.broadcast %sign3A_381 : i32 to vector<16xi32>
        %sign3A_383 = arith.ori %sign3A_382, %sign3A_380 : vector<16xi32>
        %sign3A_384 = tpu.bitcast %sign3A_383 : vector<16xi32> -> vector<16xf32>
        %sign3A_385 = math.absf %add3A_371 : vector<16xf32>
        %sign3A_386 = arith.constant 0.000000e+00 : f32
        %sign3A_387 = vector.broadcast %sign3A_386 : f32 to vector<16xf32>
        %sign3A_388 = arith.cmpf ogt, %sign3A_385, %sign3A_387 : vector<16xf32>
        %sign3A_389 = arith.select %sign3A_388, %sign3A_384, %add3A_371 : vector<16xi1>, vector<16xf32>
        %sub3A_390 = arith.constant 1.000000e+00 : f32
        %sub3A_391 = vector.broadcast %sub3A_390 : f32 to vector<16xf32>
        %sub3A_392 = arith.subf %sub3A_391, %exp3A_376 : vector<16xf32>
        %add3A_393 = arith.constant 1.000000e+00 : f32
        %add3A_394 = vector.broadcast %add3A_393 : f32 to vector<16xf32>
        %add3A_395 = arith.addf %add3A_394, %exp3A_376 : vector<16xf32>
        %div3A_396 = arith.divf %sub3A_392, %add3A_395 : vector<16xf32>
        %mul3A_397 = arith.mulf %sign3A_389, %div3A_396 : vector<16xf32>
        %swap3A_398 = arith.index_cast %add3A_116 : i32 to index
        %swap3A_399 = arith.constant 112 : index
        %swap3A_400 = tpu.vector_load %arg10[%swap3A_398, %swap3A_399] {strides = array<i32>} : memref<128x128xf32, #tpu.memory_space<vmem>>, vector<16xf32>,
        tpu.vector_store %arg10[%swap3A_398, %swap3A_399], %mul3A_397 {strides = array<i32>} : memref<128x128xf32, #tpu.memory_space<vmem>>, vector<16xf32>,
      }
      %scan3A_111 = arith.constant 128 : i32
      "tpu.region"() ({
        %run_scoped3A = tpu.sem_alloc : memref<!tpu.dma_semaphore, #tpu.memory_space<semaphore_mem>>
        %dma_start3A_112 = arith.constant 0 : i32
        %dma_start3A_113 = arith.constant 0 : i32
        %dma_start3A_114 = tpu.memref_slice %arg13[%dma_start3A_112, %dma_start3A_113] : memref<10000x128xf32, #tpu.memory_space<vmem_shared>> -> memref<10000x128xf32, #tpu.memory_space<vmem_shared>>
        tpu.enqueue_indirect_dma source(%arg10 : memref<128x128xf32, #tpu.memory_space<vmem>>) target(%dma_start3A_114 : memref<10000x128xf32, #tpu.memory_space<vmem_shared>>) offsets(%arg9 : memref<128xi32, #tpu.memory_space<vmem>>) semaphore(%run_scoped3A : memref<!tpu.dma_semaphore, #tpu.memory_space<semaphore_mem>>) {add = true}
        %dma_wait3A_115 = arith.constant 0 : i32
        %dma_wait3A_116 = arith.constant 0 : i32
        %dma_wait3A_117 = tpu.memref_slice %arg13[%dma_wait3A_115, %dma_wait3A_116] : memref<10000x128xf32, #tpu.memory_space<vmem_shared>> -> memref<10000x128xf32, #tpu.memory_space<vmem_shared>>
        tpu.wait_indirect_dma semaphore(%run_scoped3A : memref<!tpu.dma_semaphore, #tpu.memory_space<semaphore_mem>>) src(%arg10 : memref<128x128xf32, #tpu.memory_space<vmem>>) dst(%dma_wait3A_117 : memref<10000x128xf32, #tpu.memory_space<vmem_shared>>)
        tpu.yield
      }) : () -> ()
    }
    %barrier3A_46 = arith.constant 0 : index
    tpu.barrier barrier_id(%barrier3A_46)
    %sub3A_47 = arith.constant 125 : i32
    %sub3A_48 = arith.subi %sub3A_47, %arg1 : i32
    %sub3A_49 = arith.constant 16 : i32
    %sub3A_50 = arith.constant 1 : i32
    %sub3A_51 = arith.subi %sub3A_49, %sub3A_50 : i32
    %add3A_52 = arith.addi %sub3A_48, %sub3A_51 : i32
    %div3A_53 = arith.constant 16 : i32
    %div3A_54 = arith.divsi %add3A_52, %div3A_53 : i32
    %while3A_55 = arith.constant 16 : i32
    %while3A_56 = arith.constant 0 : i32
    %while3A_57 = arith.subi %div3A_54, %while3A_56 : i32
    %while3A_58 = arith.addi %while3A_56, %while3A_57 : i32
    %while3A_59 = arith.constant 1 : i32
    %while3A_60 = arith.divsi %while3A_57, %while3A_59 : i32
    %while3A_61 = arith.muli %while3A_60, %while3A_59 : i32
    %while3A_62 = arith.addi %while3A_56, %while3A_61 : i32
    %while3A_63 = arith.constant 1 : i32
    scf.for %while3A_67 = %while3A_56 to %while3A_62 step %while3A_63  : i32 {
      %mul3A_68 = arith.muli %while3A_67, %while3A_55 : i32
      %add3A_69 = arith.addi %arg1, %mul3A_68 : i32
      %mul3A_70 = arith.constant 80 : i32
      %mul3A_71 = arith.muli %add3A_69, %mul3A_70 : i32
      "tpu.region"() ({
        %run_scoped3A = tpu.sem_alloc : memref<!tpu.dma_semaphore, #tpu.memory_space<semaphore_mem>>
        %dma_start3A = arith.constant 0 : i32
        %dma_start3A_72 = tpu.memref_slice %arg6[%arg0, %mul3A_71, %dma_start3A] : memref<2x10000x128xf32, #tpu.memory_space<hbm>> -> memref<1x80x128xf32, #tpu.memory_space<hbm>>
        %dma_start3A_73 = tpu.memref_squeeze %dma_start3A_72 : memref<1x80x128xf32, #tpu.memory_space<hbm>> -> memref<80x128xf32, #tpu.memory_space<hbm>>
        %dma_start3A_74 = arith.constant 0 : i32
        %dma_start3A_75 = tpu.memref_slice %arg13[%mul3A_71, %dma_start3A_74] : memref<10000x128xf32, #tpu.memory_space<vmem_shared>> -> memref<80x128xf32, #tpu.memory_space<vmem_shared>>
        tpu.enqueue_dma source(%dma_start3A_75 : memref<80x128xf32, #tpu.memory_space<vmem_shared>>) target(%dma_start3A_73 : memref<80x128xf32, #tpu.memory_space<hbm>>) target_semaphore(%run_scoped3A : memref<!tpu.dma_semaphore, #tpu.memory_space<semaphore_mem>>)
        %dma_wait3A = arith.constant 0 : i32
        %dma_wait3A_76 = tpu.memref_slice %arg6[%arg0, %mul3A_71, %dma_wait3A] : memref<2x10000x128xf32, #tpu.memory_space<hbm>> -> memref<1x80x128xf32, #tpu.memory_space<hbm>>
        %dma_wait3A_77 = tpu.memref_squeeze %dma_wait3A_76 : memref<1x80x128xf32, #tpu.memory_space<hbm>> -> memref<80x128xf32, #tpu.memory_space<hbm>>
        %dma_wait3A_78 = arith.constant 0 : i32
        %dma_wait3A_79 = tpu.memref_slice %arg13[%mul3A_71, %dma_wait3A_78] : memref<10000x128xf32, #tpu.memory_space<vmem_shared>> -> memref<80x128xf32, #tpu.memory_space<vmem_shared>>
        tpu.wait_dma2 semaphore(%run_scoped3A : memref<!tpu.dma_semaphore, #tpu.memory_space<semaphore_mem>>) src(%dma_wait3A_79 : memref<80x128xf32, #tpu.memory_space<vmem_shared>>) dst(%dma_wait3A_77 : memref<80x128xf32, #tpu.memory_space<hbm>>)
        tpu.yield
      }) : () -> ()
    }
    %while3A_64 = arith.constant 1 : i32
    scf.for %while3A_67 = %while3A_62 to %while3A_58 step %while3A_64  : i32 {
      %mul3A_68 = arith.muli %while3A_67, %while3A_55 : i32
      %add3A_69 = arith.addi %arg1, %mul3A_68 : i32
      %mul3A_70 = arith.constant 80 : i32
      %mul3A_71 = arith.muli %add3A_69, %mul3A_70 : i32
      "tpu.region"() ({
        %run_scoped3A = tpu.sem_alloc : memref<!tpu.dma_semaphore, #tpu.memory_space<semaphore_mem>>
        %dma_start3A = arith.constant 0 : i32
        %dma_start3A_72 = tpu.memref_slice %arg6[%arg0, %mul3A_71, %dma_start3A] : memref<2x10000x128xf32, #tpu.memory_space<hbm>> -> memref<1x80x128xf32, #tpu.memory_space<hbm>>
        %dma_start3A_73 = tpu.memref_squeeze %dma_start3A_72 : memref<1x80x128xf32, #tpu.memory_space<hbm>> -> memref<80x128xf32, #tpu.memory_space<hbm>>
        %dma_start3A_74 = arith.constant 0 : i32
        %dma_start3A_75 = tpu.memref_slice %arg13[%mul3A_71, %dma_start3A_74] : memref<10000x128xf32, #tpu.memory_space<vmem_shared>> -> memref<80x128xf32, #tpu.memory_space<vmem_shared>>
        tpu.enqueue_dma source(%dma_start3A_75 : memref<80x128xf32, #tpu.memory_space<vmem_shared>>) target(%dma_start3A_73 : memref<80x128xf32, #tpu.memory_space<hbm>>) target_semaphore(%run_scoped3A : memref<!tpu.dma_semaphore, #tpu.memory_space<semaphore_mem>>)
        %dma_wait3A = arith.constant 0 : i32
        %dma_wait3A_76 = tpu.memref_slice %arg6[%arg0, %mul3A_71, %dma_wait3A] : memref<2x10000x128xf32, #tpu.memory_space<hbm>> -> memref<1x80x128xf32, #tpu.memory_space<hbm>>
        %dma_wait3A_77 = tpu.memref_squeeze %dma_wait3A_76 : memref<1x80x128xf32, #tpu.memory_space<hbm>> -> memref<80x128xf32, #tpu.memory_space<hbm>>
        %dma_wait3A_78 = arith.constant 0 : i32
        %dma_wait3A_79 = tpu.memref_slice %arg13[%mul3A_71, %dma_wait3A_78] : memref<10000x128xf32, #tpu.memory_space<vmem_shared>> -> memref<80x128xf32, #tpu.memory_space<vmem_shared>>
        tpu.wait_dma2 semaphore(%run_scoped3A : memref<!tpu.dma_semaphore, #tpu.memory_space<semaphore_mem>>) src(%dma_wait3A_79 : memref<80x128xf32, #tpu.memory_space<vmem_shared>>) dst(%dma_wait3A_77 : memref<80x128xf32, #tpu.memory_space<hbm>>)
        tpu.yield
      }) : () -> ()
    }
    %mul3A_65 = arith.constant 10000 : i32
    %mul3A_66 = arith.muli %add3A, %mul3A_65 : i32
    "tpu.region"() ({
      %run_scoped3A = tpu.sem_alloc : memref<!tpu.dma_semaphore, #tpu.memory_space<semaphore_mem>>
      %dma_start3A = tpu.memref_slice %arg7[%mul3A_66] : memref<320000xf32, #tpu.memory_space<hbm>> -> memref<10000xf32, #tpu.memory_space<hbm>>
      %dma_start3A_67 = tpu.memref_slice %arg7[%mul3A_66] : memref<320000xf32, #tpu.memory_space<hbm>> -> memref<10000xf32, #tpu.memory_space<hbm>>
      tpu.enqueue_dma source(%arg12 : memref<10000xf32, #tpu.memory_space<vmem>>) target(%dma_start3A_67 : memref<10000xf32, #tpu.memory_space<hbm>>) target_semaphore(%run_scoped3A : memref<!tpu.dma_semaphore, #tpu.memory_space<semaphore_mem>>)
      %dma_wait3A = tpu.memref_slice %arg7[%mul3A_66] : memref<320000xf32, #tpu.memory_space<hbm>> -> memref<10000xf32, #tpu.memory_space<hbm>>
      %dma_wait3A_68 = tpu.memref_slice %arg7[%mul3A_66] : memref<320000xf32, #tpu.memory_space<hbm>> -> memref<10000xf32, #tpu.memory_space<hbm>>
      tpu.wait_dma2 semaphore(%run_scoped3A : memref<!tpu.dma_semaphore, #tpu.memory_space<semaphore_mem>>) src(%arg12 : memref<10000xf32, #tpu.memory_space<vmem>>) dst(%dma_wait3A_68 : memref<10000xf32, #tpu.memory_space<hbm>>)
      tpu.yield
    }) : () -> ()
    return
  }
}

module attributes {stable_mosaic.version = 14 : i64} {
  func.func @body(%arg0: i32, %arg1: memref<1000x128xf32, #tpu.memory_space<vmem>>, %arg2: memref<128x128xf32, #tpu.memory_space<vmem>>, %arg3: memref<128x16xf32, #tpu.memory_space<vmem>>, %arg4: memref<128xf32, #tpu.memory_space<vmem>>, %arg5: memref<1000x128xf32, #tpu.memory_space<vmem>>, %arg6: memref<1000x16xf32, #tpu.memory_space<vmem>>) attributes {dimension_semantics = [#tpu.dimension_semantics<arbitrary>], iteration_bounds = array<i64: 10>, scalar_prefetch = 0 : i64, scratch_operands = 0 : i64, tpu.core_type = #tpu.core_type<tc>, window_params = [{transform_indices = @transform_0, window_bounds = array<i64: 1000, 128>}, {pipeline_mode = #tpu.pipeline_mode<synchronous>, transform_indices = @transform_1, window_bounds = array<i64: 128, 128>}, {pipeline_mode = #tpu.pipeline_mode<synchronous>, transform_indices = @transform_2, window_bounds = array<i64: 128, 16>}, {pipeline_mode = #tpu.pipeline_mode<synchronous>, transform_indices = @transform_3, window_bounds = array<i64: 128>}, {transform_indices = @transform_4, window_bounds = array<i64: 1000, 128>}, {transform_indices = @transform_5, window_bounds = array<i64: 1000, 16>}]} {
    %get3A = arith.constant 0 : index
    %get3A_0 = arith.constant 0 : index
    %get3A_1 = vector.load %arg1[%get3A, %get3A_0] : memref<1000x128xf32, #tpu.memory_space<vmem>>, vector<1000x128xf32>
    %get3A_2 = arith.constant 0 : index
    %get3A_3 = arith.constant 0 : index
    %get3A_4 = vector.load %arg2[%get3A_2, %get3A_3] : memref<128x128xf32, #tpu.memory_space<vmem>>, vector<128x128xf32>
    %dot_general3A = arith.constant dense<0.000000e+00> : vector<1000x128xf32>
    %dot_general3A_5 = tpu.matmul %get3A_1, %get3A_4, %dot_general3A {dimension_numbers = #tpu.dot_dimension_numbers<[1], [0], [0], [1], [0, 0, 1, 1], [], []>, transpose_lhs_hint = false} : vector<1000x128xf32>, vector<128x128xf32>, vector<1000x128xf32> -> vector<1000x128xf32>
    %get3A_6 = arith.constant 0 : index
    %get3A_7 = vector.load %arg4[%get3A_6] : memref<128xf32, #tpu.memory_space<vmem>>, vector<128xf32>
    %broadcast_in_dim3A = vector.shape_cast %get3A_7 : vector<128xf32> to vector<1x128xf32>
    %add3A = vector.broadcast %broadcast_in_dim3A : vector<1x128xf32> to vector<1000x128xf32>
    %add3A_8 = arith.addf %dot_general3A_5, %add3A : vector<1000x128xf32>
    %swap3A = arith.constant 0 : index
    %swap3A_9 = arith.constant 0 : index
    %swap3A_10 = vector.load %arg5[%swap3A, %swap3A_9] : memref<1000x128xf32, #tpu.memory_space<vmem>>, vector<1000x128xf32>
    tpu.vector_store %arg5[%swap3A, %swap3A_9], %add3A_8 {strides = array<i32>} : memref<1000x128xf32, #tpu.memory_space<vmem>>, vector<1000x128xf32>,
    %get3A_11 = arith.constant 0 : index
    %get3A_12 = arith.constant 0 : index
    %get3A_13 = vector.load %arg3[%get3A_11, %get3A_12] : memref<128x16xf32, #tpu.memory_space<vmem>>, vector<128x16xf32>
    %dot_general3A_14 = arith.constant dense<0.000000e+00> : vector<1000x16xf32>
    %dot_general3A_15 = tpu.matmul %get3A_1, %get3A_13, %dot_general3A_14 {dimension_numbers = #tpu.dot_dimension_numbers<[1], [0], [0], [1], [0, 0, 1, 1], [], []>, transpose_lhs_hint = false} : vector<1000x128xf32>, vector<128x16xf32>, vector<1000x16xf32> -> vector<1000x16xf32>
    %swap3A_16 = arith.constant 0 : index
    %swap3A_17 = arith.constant 0 : index
    %swap3A_18 = vector.load %arg6[%swap3A_16, %swap3A_17] : memref<1000x16xf32, #tpu.memory_space<vmem>>, vector<1000x16xf32>
    tpu.vector_store %arg6[%swap3A_16, %swap3A_17], %dot_general3A_15 {strides = array<i32>} : memref<1000x16xf32, #tpu.memory_space<vmem>>, vector<1000x16xf32>,
    return
  }
  func.func @transform_0(%arg0: i32) -> (i32, i32) {
    %c0_i32 = arith.constant 0 : i32
    %c0_i32_0 = arith.constant 0 : i32
    return %arg0, %c0_i32 : i32, i32
  }
  func.func @transform_1(%arg0: i32) -> (i32, i32) {
    %c0_i32 = arith.constant 0 : i32
    %c0_i32_0 = arith.constant 0 : i32
    %c0_i32_1 = arith.constant 0 : i32
    return %c0_i32, %c0_i32_0 : i32, i32
  }
  func.func @transform_2(%arg0: i32) -> (i32, i32) {
    %c0_i32 = arith.constant 0 : i32
    %c0_i32_0 = arith.constant 0 : i32
    %c0_i32_1 = arith.constant 0 : i32
    return %c0_i32, %c0_i32_0 : i32, i32
  }
  func.func @transform_3(%arg0: i32) -> i32 {
    %c0_i32 = arith.constant 0 : i32
    %c0_i32_0 = arith.constant 0 : i32
    return %c0_i32 : i32
  }
  func.func @transform_4(%arg0: i32) -> (i32, i32) {
    %c0_i32 = arith.constant 0 : i32
    %c0_i32_0 = arith.constant 0 : i32
    return %arg0, %c0_i32 : i32, i32
  }
  func.func @transform_5(%arg0: i32) -> (i32, i32) {
    %c0_i32 = arith.constant 0 : i32
    %c0_i32_0 = arith.constant 0 : i32
    return %arg0, %c0_i32 : i32, i32
  }
}

module attributes {stable_mosaic.version = 14 : i64} {
  func.func @body(%arg0: i32, %arg1: memref<8000x16xf32, #tpu.memory_space<vmem>>, %arg2: memref<16x128xf32, #tpu.memory_space<vmem>>, %arg3: memref<16x16xf32, #tpu.memory_space<vmem>>, %arg4: memref<16xf32, #tpu.memory_space<vmem>>, %arg5: memref<8000x128xf32, #tpu.memory_space<vmem>>, %arg6: memref<8000x16xf32, #tpu.memory_space<vmem>>) attributes {dimension_semantics = [#tpu.dimension_semantics<arbitrary>], iteration_bounds = array<i64: 40>, scalar_prefetch = 0 : i64, scratch_operands = 0 : i64, tpu.core_type = #tpu.core_type<tc>, window_params = [{transform_indices = @transform_0, window_bounds = array<i64: 8000, 16>}, {pipeline_mode = #tpu.pipeline_mode<synchronous>, transform_indices = @transform_1, window_bounds = array<i64: 16, 128>}, {pipeline_mode = #tpu.pipeline_mode<synchronous>, transform_indices = @transform_2, window_bounds = array<i64: 16, 16>}, {pipeline_mode = #tpu.pipeline_mode<synchronous>, transform_indices = @transform_3, window_bounds = array<i64: 16>}, {transform_indices = @transform_4, window_bounds = array<i64: 8000, 128>}, {transform_indices = @transform_5, window_bounds = array<i64: 8000, 16>}]} {
    %get3A = arith.constant 0 : index
    %get3A_0 = arith.constant 0 : index
    %get3A_1 = vector.load %arg1[%get3A, %get3A_0] : memref<8000x16xf32, #tpu.memory_space<vmem>>, vector<8000x16xf32>
    %get3A_2 = arith.constant 0 : index
    %get3A_3 = arith.constant 0 : index
    %get3A_4 = vector.load %arg2[%get3A_2, %get3A_3] : memref<16x128xf32, #tpu.memory_space<vmem>>, vector<16x128xf32>
    %dot_general3A = arith.constant dense<0.000000e+00> : vector<8000x128xf32>
    %dot_general3A_5 = tpu.matmul %get3A_1, %get3A_4, %dot_general3A {dimension_numbers = #tpu.dot_dimension_numbers<[1], [0], [0], [1], [0, 0, 1, 1], [], []>, transpose_lhs_hint = false} : vector<8000x16xf32>, vector<16x128xf32>, vector<8000x128xf32> -> vector<8000x128xf32>
    %swap3A = arith.constant 0 : index
    %swap3A_6 = arith.constant 0 : index
    %swap3A_7 = vector.load %arg5[%swap3A, %swap3A_6] : memref<8000x128xf32, #tpu.memory_space<vmem>>, vector<8000x128xf32>
    tpu.vector_store %arg5[%swap3A, %swap3A_6], %dot_general3A_5 {strides = array<i32>} : memref<8000x128xf32, #tpu.memory_space<vmem>>, vector<8000x128xf32>,
    %get3A_8 = arith.constant 0 : index
    %get3A_9 = arith.constant 0 : index
    %get3A_10 = vector.load %arg3[%get3A_8, %get3A_9] : memref<16x16xf32, #tpu.memory_space<vmem>>, vector<16x16xf32>
    %dot_general3A_11 = arith.constant dense<0.000000e+00> : vector<8000x16xf32>
    %dot_general3A_12 = tpu.matmul %get3A_1, %get3A_10, %dot_general3A_11 {dimension_numbers = #tpu.dot_dimension_numbers<[1], [0], [0], [1], [0, 0, 1, 1], [], []>, transpose_lhs_hint = false} : vector<8000x16xf32>, vector<16x16xf32>, vector<8000x16xf32> -> vector<8000x16xf32>
    %get3A_13 = arith.constant 0 : index
    %get3A_14 = vector.load %arg4[%get3A_13] : memref<16xf32, #tpu.memory_space<vmem>>, vector<16xf32>
    %broadcast_in_dim3A = vector.shape_cast %get3A_14 : vector<16xf32> to vector<1x16xf32>
    %add3A = vector.broadcast %broadcast_in_dim3A : vector<1x16xf32> to vector<8000x16xf32>
    %add3A_15 = arith.addf %dot_general3A_12, %add3A : vector<8000x16xf32>
    %swap3A_16 = arith.constant 0 : index
    %swap3A_17 = arith.constant 0 : index
    %swap3A_18 = vector.load %arg6[%swap3A_16, %swap3A_17] : memref<8000x16xf32, #tpu.memory_space<vmem>>, vector<8000x16xf32>
    tpu.vector_store %arg6[%swap3A_16, %swap3A_17], %add3A_15 {strides = array<i32>} : memref<8000x16xf32, #tpu.memory_space<vmem>>, vector<8000x16xf32>,
    return
  }
  func.func @transform_0(%arg0: i32) -> (i32, i32) {
    %c0_i32 = arith.constant 0 : i32
    %c0_i32_0 = arith.constant 0 : i32
    return %arg0, %c0_i32 : i32, i32
  }
  func.func @transform_1(%arg0: i32) -> (i32, i32) {
    %c0_i32 = arith.constant 0 : i32
    %c0_i32_0 = arith.constant 0 : i32
    %c0_i32_1 = arith.constant 0 : i32
    return %c0_i32, %c0_i32_0 : i32, i32
  }
  func.func @transform_2(%arg0: i32) -> (i32, i32) {
    %c0_i32 = arith.constant 0 : i32
    %c0_i32_0 = arith.constant 0 : i32
    %c0_i32_1 = arith.constant 0 : i32
    return %c0_i32, %c0_i32_0 : i32, i32
  }
  func.func @transform_3(%arg0: i32) -> i32 {
    %c0_i32 = arith.constant 0 : i32
    %c0_i32_0 = arith.constant 0 : i32
    return %c0_i32 : i32
  }
  func.func @transform_4(%arg0: i32) -> (i32, i32) {
    %c0_i32 = arith.constant 0 : i32
    %c0_i32_0 = arith.constant 0 : i32
    return %arg0, %c0_i32 : i32, i32
  }
  func.func @transform_5(%arg0: i32) -> (i32, i32) {
    %c0_i32 = arith.constant 0 : i32
    %c0_i32_0 = arith.constant 0 : i32
    return %arg0, %c0_i32 : i32, i32
  }
}

module attributes {stable_mosaic.version = 14 : i64} {
  func.func @body(%arg0: i32, %arg1: memref<2x1000x128xf32, #tpu.memory_space<vmem>>, %arg2: memref<1000x32xf32, #tpu.memory_space<vmem>>, %arg3: memref<1000x128xf32, #tpu.memory_space<vmem>>, %arg4: memref<128x128xf32, #tpu.memory_space<vmem>>, %arg5: memref<128x128xf32, #tpu.memory_space<vmem>>, %arg6: memref<128xf32, #tpu.memory_space<vmem>>, %arg7: memref<128x16xf32, #tpu.memory_space<vmem>>, %arg8: memref<1000x128xf32, #tpu.memory_space<vmem>>, %arg9: memref<1000x16xf32, #tpu.memory_space<vmem>>) attributes {dimension_semantics = [#tpu.dimension_semantics<arbitrary>], iteration_bounds = array<i64: 10>, scalar_prefetch = 0 : i64, scratch_operands = 0 : i64, tpu.core_type = #tpu.core_type<tc>, window_params = [{transform_indices = @transform_0, window_bounds = array<i64: 2, 1000, 128>}, {transform_indices = @transform_1, window_bounds = array<i64: 1000, 32>}, {transform_indices = @transform_2, window_bounds = array<i64: 1000, 128>}, {pipeline_mode = #tpu.pipeline_mode<synchronous>, transform_indices = @transform_3, window_bounds = array<i64: 128, 128>}, {pipeline_mode = #tpu.pipeline_mode<synchronous>, transform_indices = @transform_4, window_bounds = array<i64: 128, 128>}, {pipeline_mode = #tpu.pipeline_mode<synchronous>, transform_indices = @transform_5, window_bounds = array<i64: 128>}, {pipeline_mode = #tpu.pipeline_mode<synchronous>, transform_indices = @transform_6, window_bounds = array<i64: 128, 16>}, {transform_indices = @transform_7, window_bounds = array<i64: 1000, 128>}, {transform_indices = @transform_8, window_bounds = array<i64: 1000, 16>}]} {
    %get3A = arith.constant 0 : index
    %get3A_0 = arith.constant 0 : index
    %get3A_1 = arith.constant 0 : index
    %get3A_2 = vector.load %arg1[%get3A, %get3A_0, %get3A_1] : memref<2x1000x128xf32, #tpu.memory_space<vmem>>, vector<1x1000x128xf32>
    %get3A_3 = vector.shape_cast %get3A_2 : vector<1x1000x128xf32> to vector<1000x128xf32>
    %get3A_4 = arith.constant 1 : index
    %get3A_5 = arith.constant 0 : index
    %get3A_6 = arith.constant 0 : index
    %get3A_7 = vector.load %arg1[%get3A_4, %get3A_5, %get3A_6] : memref<2x1000x128xf32, #tpu.memory_space<vmem>>, vector<1x1000x128xf32>
    %get3A_8 = vector.shape_cast %get3A_7 : vector<1x1000x128xf32> to vector<1000x128xf32>
    %add3A = arith.addf %get3A_3, %get3A_8 : vector<1000x128xf32>
    %get3A_9 = arith.constant 0 : index
    %get3A_10 = arith.constant 0 : index
    %get3A_11 = vector.load %arg2[%get3A_9, %get3A_10] : memref<1000x32xf32, #tpu.memory_space<vmem>>, vector<1000x32xf32>
    %reduce_sum3A = arith.constant dense<0.000000e+00> : vector<1000xf32>
    %reduce_sum3A_12 = vector.multi_reduction <add>, %get3A_11, %reduce_sum3A [1] : vector<1000x32xf32> to vector<1000xf32>
    %max3A = arith.constant 1.000000e+00 : f32
    %max3A_13 = vector.broadcast %max3A : f32 to vector<1000xf32>
    %max3A_14 = arith.maximumf %reduce_sum3A_12, %max3A_13 : vector<1000xf32>
    %broadcast_in_dim3A = vector.shape_cast %max3A_14 : vector<1000xf32> to vector<1000x1xf32>
    %div3A = vector.broadcast %broadcast_in_dim3A : vector<1000x1xf32> to vector<1000x128xf32>
    %div3A_15 = arith.divf %add3A, %div3A : vector<1000x128xf32>
    %get3A_16 = arith.constant 0 : index
    %get3A_17 = arith.constant 0 : index
    %get3A_18 = vector.load %arg4[%get3A_16, %get3A_17] : memref<128x128xf32, #tpu.memory_space<vmem>>, vector<128x128xf32>
    %dot_general3A = arith.constant dense<0.000000e+00> : vector<1000x128xf32>
    %dot_general3A_19 = tpu.matmul %div3A_15, %get3A_18, %dot_general3A {dimension_numbers = #tpu.dot_dimension_numbers<[1], [0], [0], [1], [0, 0, 1, 1], [], []>, transpose_lhs_hint = false} : vector<1000x128xf32>, vector<128x128xf32>, vector<1000x128xf32> -> vector<1000x128xf32>
    %get3A_20 = arith.constant 0 : index
    %get3A_21 = arith.constant 0 : index
    %get3A_22 = vector.load %arg3[%get3A_20, %get3A_21] : memref<1000x128xf32, #tpu.memory_space<vmem>>, vector<1000x128xf32>
    %get3A_23 = arith.constant 0 : index
    %get3A_24 = arith.constant 0 : index
    %get3A_25 = vector.load %arg5[%get3A_23, %get3A_24] : memref<128x128xf32, #tpu.memory_space<vmem>>, vector<128x128xf32>
    %dot_general3A_26 = arith.constant dense<0.000000e+00> : vector<1000x128xf32>
    %dot_general3A_27 = tpu.matmul %get3A_22, %get3A_25, %dot_general3A_26 {dimension_numbers = #tpu.dot_dimension_numbers<[1], [0], [0], [1], [0, 0, 1, 1], [], []>, transpose_lhs_hint = false} : vector<1000x128xf32>, vector<128x128xf32>, vector<1000x128xf32> -> vector<1000x128xf32>
    %add3A_28 = arith.addf %dot_general3A_19, %dot_general3A_27 : vector<1000x128xf32>
    %get3A_29 = arith.constant 0 : index
    %get3A_30 = vector.load %arg6[%get3A_29] : memref<128xf32, #tpu.memory_space<vmem>>, vector<128xf32>
    %broadcast_in_dim3A_31 = vector.shape_cast %get3A_30 : vector<128xf32> to vector<1x128xf32>
    %add3A_32 = vector.broadcast %broadcast_in_dim3A_31 : vector<1x128xf32> to vector<1000x128xf32>
    %add3A_33 = arith.addf %add3A_28, %add3A_32 : vector<1000x128xf32>
    %tanh3A = math.tanh %add3A_33 : vector<1000x128xf32>
    %swap3A = arith.constant 0 : index
    %swap3A_34 = arith.constant 0 : index
    %swap3A_35 = vector.load %arg8[%swap3A, %swap3A_34] : memref<1000x128xf32, #tpu.memory_space<vmem>>, vector<1000x128xf32>
    tpu.vector_store %arg8[%swap3A, %swap3A_34], %tanh3A {strides = array<i32>} : memref<1000x128xf32, #tpu.memory_space<vmem>>, vector<1000x128xf32>,
    %get3A_36 = arith.constant 0 : index
    %get3A_37 = arith.constant 0 : index
    %get3A_38 = vector.load %arg7[%get3A_36, %get3A_37] : memref<128x16xf32, #tpu.memory_space<vmem>>, vector<128x16xf32>
    %dot_general3A_39 = arith.constant dense<0.000000e+00> : vector<1000x16xf32>
    %dot_general3A_40 = tpu.matmul %tanh3A, %get3A_38, %dot_general3A_39 {dimension_numbers = #tpu.dot_dimension_numbers<[1], [0], [0], [1], [0, 0, 1, 1], [], []>, transpose_lhs_hint = false} : vector<1000x128xf32>, vector<128x16xf32>, vector<1000x16xf32> -> vector<1000x16xf32>
    %swap3A_41 = arith.constant 0 : index
    %swap3A_42 = arith.constant 0 : index
    %swap3A_43 = vector.load %arg9[%swap3A_41, %swap3A_42] : memref<1000x16xf32, #tpu.memory_space<vmem>>, vector<1000x16xf32>
    tpu.vector_store %arg9[%swap3A_41, %swap3A_42], %dot_general3A_40 {strides = array<i32>} : memref<1000x16xf32, #tpu.memory_space<vmem>>, vector<1000x16xf32>,
    return
  }
  func.func @transform_0(%arg0: i32) -> (i32, i32, i32) {
    %c0_i32 = arith.constant 0 : i32
    %c0_i32_0 = arith.constant 0 : i32
    %c0_i32_1 = arith.constant 0 : i32
    return %c0_i32, %arg0, %c0_i32_0 : i32, i32, i32
  }
  func.func @transform_1(%arg0: i32) -> (i32, i32) {
    %c0_i32 = arith.constant 0 : i32
    %c0_i32_0 = arith.constant 0 : i32
    return %arg0, %c0_i32 : i32, i32
  }
  func.func @transform_2(%arg0: i32) -> (i32, i32) {
    %c0_i32 = arith.constant 0 : i32
    %c0_i32_0 = arith.constant 0 : i32
    return %arg0, %c0_i32 : i32, i32
  }
  func.func @transform_3(%arg0: i32) -> (i32, i32) {
    %c0_i32 = arith.constant 0 : i32
    %c0_i32_0 = arith.constant 0 : i32
    %c0_i32_1 = arith.constant 0 : i32
    return %c0_i32, %c0_i32_0 : i32, i32
  }
  func.func @transform_4(%arg0: i32) -> (i32, i32) {
    %c0_i32 = arith.constant 0 : i32
    %c0_i32_0 = arith.constant 0 : i32
    %c0_i32_1 = arith.constant 0 : i32
    return %c0_i32, %c0_i32_0 : i32, i32
  }
  func.func @transform_5(%arg0: i32) -> i32 {
    %c0_i32 = arith.constant 0 : i32
    %c0_i32_0 = arith.constant 0 : i32
    return %c0_i32 : i32
  }
  func.func @transform_6(%arg0: i32) -> (i32, i32) {
    %c0_i32 = arith.constant 0 : i32
    %c0_i32_0 = arith.constant 0 : i32
    %c0_i32_1 = arith.constant 0 : i32
    return %c0_i32, %c0_i32_0 : i32, i32
  }
  func.func @transform_7(%arg0: i32) -> (i32, i32) {
    %c0_i32 = arith.constant 0 : i32
    %c0_i32_0 = arith.constant 0 : i32
    return %arg0, %c0_i32 : i32, i32
  }
  func.func @transform_8(%arg0: i32) -> (i32, i32) {
    %c0_i32 = arith.constant 0 : i32
    %c0_i32_0 = arith.constant 0 : i32
    return %arg0, %c0_i32 : i32, i32
  }
}

</mosaic_0001>

<sc_bundles>
// kernel: kernel.10.cloned.1.call-start
scs
__scs_entry_jumppad:
0x0: {  	(pc) =	sbr.rel $0x88, $3  }
0x1: {  	(tag) =	ssettag $0x0;
	lr =	simm.s32 $0x1  }
0x2: {  	[smem:$0x3F98] =	sst lr;
	_ =	strace $0xD0000000  }
0x3: {  	_ = 	snop  }
0x4: {  	_ = 	snop  }
0x5: {  	_ = 	snop  }
0x6: {  	_ = 	snop  }
0x7: {  	_ = 	snop  }
__scs_overlays_trampoline_lowered:
0x8: {  	[smem:$0x3FA7] =	sst s0  }
0x9: {  	[smem:$0x3FA8] =	sst s1  }
0xa: {  	[smem:$0x3FA9] =	sst s2  }
0xb: {  	[smem:$0x3FAA] =	sst s3  }
0xc: {  	[smem:$0x3FAB] =	sst s4  }
0xd: {  	[smem:$0x3FAC] =	sst s5  }
0xe: {  	[smem:$0x3FAD] =	sst s6  }
0xf: {  	[smem:$0x3FAE] =	sst s7  }
0x10: {  	[smem:$0x3FAF] =	sst s8  }
0x11: {  	[smem:$0x3FB0] =	sst s9;
	s0 =	simm.s32 @!p0 $0x0  }
0x12: {  	s1 =	sld [smem:$0x3F96];
	s0 =	simm.s32 @p0 $0x1  }
0x13: {  	[smem:$0x3FB1] =	sst s0;
	s0 =	simm.s32 @!p1 $0x0  }
0x14: {  	s2 =	sld [smem:$0x3F95];
	s0 =	simm.s32 @p1 $0x1  }
0x15: {  	[smem:$0x3FB2] =	sst s0;
	s0 =	simm.s32 @!p2 $0x0  }
0x16: {  	s3 =	sld [smem:$0x3FDB];
	s0 =	simm.s32 @p2 $0x1  }
0x17: {  	s4 =	simm.s32 $0x1BF5;
	[smem:$0x3FB4] =	sst s0  }
0x18: {  	s0 =	sld [smem:$0x3F97];
	_ =	swait.ge [sflag:s4], $0x0  }
0x19: {  	s7 =	sld [smem:$0x3F98]  }
0x1a: {  	s8 =	sadd.s32 $0xFFFFE003, lr  }
0x1b: {  	s9 =	sadd.s32 $0xFFFFFEF7, lr;
	s5 =	simm.s32 $0xFFFFFFFF;
	p2 =	slt.u32 s8, $0xFFFFF086  }
0x1c: {  	p1 =	slt.u32 s9, $0xF7A;
	s5 =	simm.s32 @!p2 $0x0  }
0x1d: {  	s5 =	simm.s32 @p1 $0x1;
	p0 =	seq.s32 s7, s2  }
0x1e: {  	s7 =	smul.u32 @!p0 $0xF7A, s2;
	p2 =	seq.s32 @!p0 s5, $0x0  }
0x1f: {  	s9 =	smul.u32 $0xF7A, s1;
	s8 =	simm.s32 @!p0 $0x1BF5;
	p2 =	por !p2, p0  }
0x20: {  	[sflag:s8] =	ssyncset.s32 @!p0 $0xFFFFF086;
	s6 =	sadd.s32 @!p0 s3, s7;
	s7 =	simm.s32 @!p0 $0x108  }
0x21: {  	s3 =	sadd.s32 s3, s9;
	s6 =	sadd.s32 @!p0 $0x88, s6;
	s7 =	simm.s32 @p2 $0x1082  }
0x22: {  	[simem:s7], [sflag:s8] =	dma.local @!p0 [hbm:s6], $0xF7A  }
0x23: {  	s9 =	sor.u32 $0xD0000000, s2;
	s6 =	simm.s32 $0x108;
	_ =	swait.ge @!p0 [sflag:s8], $0x0  }
0x24: {  	s3 =	sadd.s32 $0x88, s3;
	s6 =	simm.s32 @!p1 $0x1082;
	[sflag:s4] =	ssyncset.s32 $0xFFFFF086  }
0x25: {  	[simem:s6], [sflag:s4] =	dma.local [hbm:s3], $0xF7A  }
0x26: {  	[smem:$0x3F98] =	sst s1;
	(tag) =	ssettag s2;
	_ =	strace s9  }
0x27: {  	s1 =	sld [smem:$0x3FA8]  }
0x28: {  	s2 =	sld [smem:$0x3FA9]  }
0x29: {  	s4 =	sld [smem:$0x3FAB]  }
0x2a: {  	p0 =	seq.s32 s5, $0x0;
	s5 =	sld [smem:$0x3FAC]  }
0x2b: {  	s6 =	sld [smem:$0x3FAD]  }
0x2c: {  	s7 =	sld [smem:$0x3FAE]  }
0x2d: {  	s3 =	simm.s32 $0x108;
	s8 =	sld [smem:$0x3FAF]  }
0x2e: {  	s3 =	simm.s32 @!p0 $0x1082;
	s9 =	sld [smem:$0x3FB0]  }
0x2f: {  	lr =	sadd.s32 s0, s3;
	s0 =	sld [smem:$0x3FA7]  }
0x30: {  	s3 =	sld [smem:$0x3FAA]  }
0x31: {  	[smem:$0x3FB3] =	sst s10  }
0x32: {  	s10 =	sld [smem:$0x3FB1];
	_ =	sdelay $0x3  }
0x33: {  	p0 =	seq.s32 s10, $0x1;
	s10 =	sld [smem:$0x3FB3];
	_ =	sdelay $0x3  }
0x34: {  	[smem:$0x3FB3] =	sst s10  }
0x35: {  	s10 =	sld [smem:$0x3FB2];
	_ =	sdelay $0x3  }
0x36: {  	p1 =	seq.s32 s10, $0x1;
	s10 =	sld [smem:$0x3FB3];
	_ =	sdelay $0x3  }
0x37: {  	[smem:$0x3FB3] =	sst s10  }
0x38: {  	s10 =	sld [smem:$0x3FB4]  }
0x39: {  	_ = 	snop;
	(pc) =	sbr.ind lr, $3  }
0x3a: {  	_ = 	snop  }
0x3b: {  	_ = 	snop  }
0x3c: {  	p2 =	seq.s32 s10, $0x1;
	s10 =	sld [smem:$0x3FB3]  }
0x3d: {  	_ =	shalt  }
0x3e: {  	_ =	shalt  }
0x3f: {  	_ =	shalt  }
0x40: {  	_ =	shalt  }
0x41: {  	_ =	shalt  }
0x42: {  	_ =	shalt  }
0x43: {  	_ =	shalt  }
0x44: {  	_ =	shalt  }
0x45: {  	_ =	shalt  }
0x46: {  	_ =	shalt  }
0x47: {  	_ =	shalt  }
0x48: {  	_ =	shalt  }
0x49: {  	_ =	shalt  }
0x4a: {  	_ =	shalt  }
0x4b: {  	_ =	shalt  }
0x4c: {  	_ =	shalt  }
0x4d: {  	_ =	shalt  }
0x4e: {  	_ =	shalt  }
0x4f: {  	_ =	shalt  }
0x50: {  	_ =	shalt  }
0x51: {  	_ =	shalt  }
0x52: {  	_ =	shalt  }
0x53: {  	_ =	shalt  }
0x54: {  	_ =	shalt  }
0x55: {  	_ =	shalt  }
0x56: {  	_ =	shalt  }
0x57: {  	_ =	shalt  }
0x58: {  	_ =	shalt  }
0x59: {  	_ =	shalt  }
0x5a: {  	_ =	shalt  }
0x5b: {  	_ =	shalt  }
0x5c: {  	_ =	shalt  }
0x5d: {  	_ =	shalt  }
0x5e: {  	_ =	shalt  }
0x5f: {  	_ =	shalt  }
0x60: {  	_ =	shalt  }
0x61: {  	_ =	shalt  }
0x62: {  	_ =	shalt  }
0x63: {  	_ =	shalt  }
0x64: {  	_ =	shalt  }
0x65: {  	_ =	shalt  }
0x66: {  	_ =	shalt  }
0x67: {  	_ =	shalt  }
0x68: {  	_ =	shalt  }
0x69: {  	_ =	shalt  }
0x6a: {  	_ =	shalt  }
0x6b: {  	_ =	shalt  }
0x6c: {  	_ =	shalt  }
0x6d: {  	_ =	shalt  }
0x6e: {  	_ =	shalt  }
0x6f: {  	_ =	shalt  }
0x70: {  	_ =	shalt  }
0x71: {  	_ =	shalt  }
0x72: {  	_ =	shalt  }
0x73: {  	_ =	shalt  }
0x74: {  	_ =	shalt  }
0x75: {  	_ =	shalt  }
0x76: {  	_ =	shalt  }
0x77: {  	_ =	shalt  }
0x78: {  	_ =	shalt  }
0x79: {  	_ =	shalt  }
0x7a: {  	_ =	shalt  }
0x7b: {  	_ =	shalt  }
0x7c: {  	_ =	shalt  }
0x7d: {  	_ =	shalt  }
0x7e: {  	_ =	shalt  }
0x7f: {  	_ =	shalt  }
0x80: {  	_ =	shalt  }
0x81: {  	_ =	shalt  }
0x82: {  	_ =	shalt  }
0x83: {  	_ =	shalt  }
0x84: {  	_ =	shalt  }
0x85: {  	_ =	shalt  }
0x86: {  	_ =	shalt  }
0x87: {  	_ =	shalt  }
.Lfunc_end0:
.L_simem_size_0:
called_computation.1_lowered:
.L_overlay_start_0:
0x88: {  	s2 =	sld [smem:$0x3FD9]  }
0x89: {  	s3 =	sld [smem:$0x3FFE];
	_ =	sdelay $0x1  }
0x8a: {  	s1 =	srdreg.scid  }
0x8b: {  	s0 =	sand.u32 $0x1, s1  }
0x8c: {  	s14 =	sshll.u32 s0, $0xA;
	s2 =	sadd.s32 s3, s2  }
0x8d: {  	s2 =	sadd.s32 s2, s14  }
0x8e: {  	[smem:$0x3FBF] =	sst s2  }
0x8f: {  	_ = 	snop  }
0x90: {  	s2 =	sld [smem:$0x3FD0];
	_ =	sdelay $0x2  }
0x91: {  	s15 =	simm.s32 $0xA;
	s4 =	simm.s32 $0x10  }
0x92: {  	[smem:s4], [sflag:s15] =	dma.local [hbm:s2], $0x1  }
0x93: {  	_ =	swait.eq [sflag:s15], $0x1  }
0x94: {  	[sflag:s15] =	ssyncset.done $0x0  }
0x95: {  	[sflag:s15] =	ssyncadd.s32 $0xFFFFFFFF  }
0x96: {  	s16 =	sld [smem:$0x11];
	(tm) =	ssettm $0x1  }
0x97: {  	s17 =	sld [smem:$0x3FFB];
	_ =	sdelay $0x3  }
0x98: {  	_ =	strace s17  }
0x99: {  	s3 =	sld [smem:$0x3FFC];
	_ =	sdelay $0x3  }
0x9a: {  	_ =	strace s3  }
0x9b: {  	s3 =	sld [smem:$0x3FFD];
	_ =	sdelay $0x3  }
0x9c: {  	_ =	strace s3  }
0x9d: {  	_ =	strace $0x8FFFFFFF  }
0x9e: {  	s18 =	sld [smem:$0x3FDB];
	_ =	sdelay $0x1  }
0x9f: {  	s19 =	simm.s32 $_scs_section_size  }
0xa0: {  	s5 =	simm.s32 $_size__tile_overlayer_lowered;
	s6 =	simm.s32 $_tile_overlayer_lowered  }
0xa1: {  	s22 =	simm.s32 $0x1BFF;
	s21 =	sshll.u32 s6, $0x1;
	s3 =	sadd.s32 s19, s18  }
0xa2: {  	s7 =	simm.s32 $0x0;
	s20 =	sshll.u32 s5, $0x1;
	s5 =	sadd.s32 s21, s3  }
0xa3: {  	[timem:s7], [sflag:s22] =	dma.local [hbm:s5], s20  }
0xa4: {  	_ =	swait.ge [sflag:s22], s20  }
0xa5: {  	s4 =	ssub.s32 $0x0, s20;
	[sflag:s22] =	ssyncset.done $0x0  }
0xa6: {  	[sflag:s22] =	ssyncadd.s32 s4;
	_ =	sdelay $0x1  }
0xa7: {  	s23 =	simm.s32 $0x1B8B  }
0xa8: {  	_ =	swait.ge [sflag:s23], $0x1  }
0xa9: {  	[sflag:s23] =	ssyncset.done $0x0  }
0xaa: {  	s25 =	simm.s32 $0x1B8E;
	s24 =	sld [smem:$0x3FFE];
	[sflag:s23] =	ssyncadd.s32 $0xFFFFFFFF  }
0xab: {  	s26 =	simm.s32 $execute0_lowered;
	[smem:$0x3FD2] =	sst s25  }
0xac: {  	s5 =	sshll.u32 s26, $0x1;
	_ =	strace $0x80000049;
	[dreg:$0x1] =	wrdreg $0xFFFFFFFF  }
0xad: {  	s28 =	simm.s32 $_size_execute0_lowered;
	s3 =	sadd.s32 s3, s5;
	[dreg:$0x0] =	wrdreg $0x0  }
0xae: {  	s5 =	sshll.u32 s28, $0x1;
	[dreg:$0x2] =	wrdreg s3  }
0xaf: {  	[dreg:$0x3] =	wrdreg s5  }
0xb0: {  	[dreg:$0x4] =	wrdreg $0xC0  }
0xb1: {  	_ =	task [dreg:s7], $0x5FFFF  }
0xb2: {  	[dreg:$0x1] =	wrdreg $0xFFFFFFFF  }
0xb3: {  	[dreg:$0x0] =	wrdreg $0x60  }
0xb4: {  	[dreg:$0x2] =	wrdreg s24  }
0xb5: {  	[dreg:$0x3] =	wrdreg s16  }
0xb6: {  	[dreg:$0x4] =	wrdreg $0x9  }
0xb7: {  	_ =	task.clear_ibuf [dreg:s7], $0x5FFFF;
	_ =	strace $0x90000049  }
0xb8: {  	s29 =	simm.s32 $0x9;
	_ =	strace $0x8000004B  }
0xb9: {  	_ =	swait.ge [sflag:s29], $0x1  }
0xba: {  	[sflag:s29] =	ssyncadd.s32 $0xFFFFFFFF  }
0xbb: {  	_ =	strace $0x9000004B  }
0xbc: {  	_ =	sfence  }
0xbd: {  	s30 =	sld [smem:$0x0];
	_ =	sdelay $0x2  }
0xbe: {  	s31 =	sshll.u32 s1, $0xD;
	s1 =	sshrl.u32 s1, $0x2  }
0xbf: {  	s3 =	sand.u32 $0x4000, s31;
	s1 =	sadd.s32 s1, s30  }
0xc0: {  	s0 =	sor.u32 s3, s0;
	s1 =	sshll.u32 s1, $0x11  }
0xc1: {  	s0 =	sor.u32 s1, s0  }
0xc2: {  	s0 =	sadd.s32 $0x8F2B, s0  }
0xc3: {  	[sflag:s0] =	ssyncadd.remote.s32 $0x1  }
0xc4: {  	_ =	sfence.sel $0xFFFF  }
0xc5: {  	[dreg:$0x0] =	wrdreg $0xFFFFFFFF;
	(pc) =	sbr.abs _section_cstart, $3  }
0xc6: {  	[dreg:$0x1] =	wrdreg $0xFFFFFFFF  }
0xc7: {  	_ =	task.clear_ibuf [dreg:s7], $0x2FFFF;
	_ =	strace $0x9FFFFFFF  }
0xc8: {  	(tm) =	ssettm $0x7FFFFFFF  }
0xc9: {  	_ =	shalt  }
tec
execute0_lowered:
.L_overlay_start_1:
0x0: {  	(tag) =	ssettag $0x1  }
0x1: {  	s0 =	rddreg [dreg:$0x0]  }
0x2: {  	s2 =	simm.s32 $0x0;
	s3 =	srdreg.scid;
	s1 =	stileid.u32  }
0x3: {  	s12 =	simm.s32 $0x80;
	s13 =	simm.s32 $0x1100;
	s14 =	simm.s32 $0x1  }
0x4: {  	s15 =	simm.s32 $0x100;
	s16 =	simm.s32 $0x2;
	s17 =	simm.s32 $0x900  }
0x5: {  	s18 =	simm.s32 $0x3;
	s19 =	simm.s32 $0x4;
	s20 =	simm.s32 $0x5  }
0x6: {  	s21 =	simm.s32 $0x1900;
	s22 =	simm.s32 $0x6;
	[smem:$0x7FF] =	sst s2  }
0x7: {  	s4 =	sadd.s32 $0x6EC00, s0;
	s5 =	sadd.s32 $0x16C00, s0;
	s3 =	sand.u32 $0x1, s3  }
0x8: {  	s6 =	sadd.s32 $0xCE00, s0;
	s8 =	sshll.u32 s1, $0x1;
	s9 =	ssub.s32 $0x2, s3  }
0x9: {  	s7 =	sadd.s32 $0x3000, s0;
	s1 =	simm.s32 $0x0;
	s10 =	sshrl.u32 s9, $0x1  }
0xa: {  	_ =	strace $0x8000004A;
	s3 =	sor.u32 s3, s8;
	s30 =	ssub.s32 s9, s10  }
0xb: {  	v0 =	vimm.f32 $1.000000000e+00;
	s8 =	sadd.s32 $0x73C00, s0;
	s31 =	ssub.s32 $0x9E3, s3;
	s0 =	smax.u32 s30, $0x1  }
0xc: {  	v0 =	vand.u32 $0x7FFFFFFF, v0;
	s9 =	sshll.u32 s3, $0x7;
	s10 =	sshrl.u32 s31, $0x5;
	[dreg:$0x3] =	wrdreg s0  }
.LBB2_1:
0xd: {  	[dreg:$0x4] =	wrdreg s1;
	s24 =	simm.s32 $0x0  }
.LBB2_2:
0xe: {  	s0 =	sshll.u32 s24, $0xC  }
0xf: {  	s0 =	sor.u32 s9, s0  }
0x10: {  	s3 =	sshrl.u32 s0, $0x3  }
0x11: {  	s26 =	simm.s32 $0x0;
	s0 =	sshll.u32 s0, $0x1;
	s11 =	sadd.s32 s6, s3  }
0x12: {  	[tilespmem:s26], [sflag:$0x1] =	stream.linear.gather [hbm4b:s11+s26], $0x80, $0x38;
	[tilespmem:$0x2100] =	vst v63  }
0x13: {  	s23 =	rddreg [dreg:$0x1];
	s3 =	sadd.s32 s7, s3;
	s25 =	sand.u32 $0x1FFFFF00, s0  }
0x14: {  	[tilespmem:s12], [sflag:$0x2] =	stream.linear.gather [hbm4b:s3+s26], $0x80, $0x38;
	[tilespmem:$0x2100] =	vst v63  }
0x15: {  	s0 =	sadd.s32 s23, s25  }
0x16: {  	[tilespmem:s13], [sflag:$0x3] =	stream.linear.gather [hbm4b:s0+s26], $0x800, $0x38;
	[tilespmem:$0x2100] =	vst v63  }
0x17: {  	_ =	swait.ge [sflag:s14], $0x80  }
0x18: {  	[sflag:s14] =	ssyncset.done $0x0  }
0x19: {  	[sflag:s14] =	ssyncadd.s32 $0xFFFFFF80  }
0x1a: {  	[tilespmem:s15], [sflag:$0x4] =	stream.indirect.gather [hbm4b:s4+s12], $0x10, s26, s12, $0xb8;
	[tilespmem:$0x2100] =	vst v63  }
0x1b: {  	_ =	swait.ge [sflag:s16], $0x80  }
0x1c: {  	[sflag:s16] =	ssyncset.done $0x0  }
0x1d: {  	[sflag:s16] =	ssyncadd.s32 $0xFFFFFF80  }
0x1e: {  	[tilespmem:s17], [sflag:$0x5] =	stream.indirect.gather [hbm4b:s5+s12], $0x10, s12, s12, $0xb8;
	[tilespmem:$0x2100] =	vst v63  }
0x1f: {  	_ =	swait.ge [sflag:s18], $0x800  }
0x20: {  	[sflag:s18] =	ssyncset.done $0x0  }
0x21: {  	[sflag:s18] =	ssyncadd.s32 $0xFFFFF800  }
0x22: {  	_ =	swait.ge [sflag:s19], $0x800  }
0x23: {  	[sflag:s19] =	ssyncset.done $0x0  }
0x24: {  	[sflag:s19] =	ssyncadd.s32 $0xFFFFF800  }
0x25: {  	_ =	swait.ge [sflag:s20], $0x800  }
0x26: {  	[sflag:s20] =	ssyncset.done $0x0  }
0x27: {  	s26 =	simm.s32 $0x0;
	[sflag:s20] =	ssyncadd.s32 $0xFFFFF800  }
0x28: {  	v1 =	vld [tilespmem:s26+$0x100]  }
0x29: {  	v2 =	vld [tilespmem:s26+$0x900];
	_ =	sdelay $0x1  }
0x2a: {  	v3 =	vld [tilespmem:s26+$0x1100];
	_ =	sdelay $0x1  }
0x2b: {  	s28 =	simm.s32 $0x10  }
0x2c: {  	v4 =	vld [tilespmem:s28+$0x900];
	v1 =	vadd.f32 v2, v1  }
0x2d: {  	v2 =	vld [tilespmem:s28+$0x100]  }
0x2e: {  	v6 =	vadd.f32 v3, v1  }
0x2f: {  	s29 =	simm.s32 $0x20;
	v1 =	vld [tilespmem:s28+$0x1100]  }
0x30: {  	v7 =	vld [tilespmem:s29+$0x100];
	v3 =	vand.u32 $0x7FFFFFFF, v6  }
0x31: {  	v8 =	vld [tilespmem:s29+$0x900];
	v3 =	vmul.f32 $-2.000000000e+00, v3  }
0x32: {  	v2 =	vadd.f32 v4, v2  }
0x33: {  	v4 =	vld [tilespmem:s29+$0x1100];
	v3 =	vmul.f32 $1.442695020e+00, v3  }
0x34: {  	v5 =	vadd.f32 v1, v2  }
0x35: {  	s31 =	simm.s32 $0x30;
	(erf) = vpow2.f32 v3  }
0x36: {  	v1 =	vadd.f32 v8, v7;
	v7 =	vld [tilespmem:s31+$0x900];
	v2 =	vand.u32 $0x7FFFFFFF, v5  }
0x37: {  	v3 =	vld [tilespmem:s31+$0x100];
	v2 =	vmul.f32 $-2.000000000e+00, v2  }
0x38: {  	v4 =	vadd.f32 v4, v1  }
0x39: {  	v1 =	vmul.f32 $1.442695020e+00, v2  }
0x3a: {  	s30 =	simm.s32 $0x40;
	v2 =	vld [tilespmem:s31+$0x1100];
	v8 =	vand.u32 $0x7FFFFFFF, v4  }
0x3b: {  	(erf) = vpow2.f32 v1;
	v1 =	vmul.f32 $-2.000000000e+00, v8;
	v8 =	vld [tilespmem:s30+$0x100]  }
0x3c: {  	v3 =	vadd.f32 v7, v3;
	v7 =	vld [tilespmem:s30+$0x900];
	_ =	sdelay $0x1  }
0x3d: {  	s0 =	simm.s32 $0x50;
	v9 =	vld [tilespmem:s30+$0x1100];
	v1 =	vmul.f32 $1.442695020e+00, v1;
	v10 =	vpop (erf)  }
0x3e: {  	v12 =	vld [tilespmem:s0+$0x100];
	v2 =	vadd.f32 v2, v3;
	v11 =	vadd.f32 $1.000000000e+00, v10  }
0x3f: {  	(erf) = vpow2.f32 v1;
	v1 =	vld [tilespmem:s0+$0x900]  }
0x40: {  	v3 =	vand.u32 $0x7FFFFFFF, v2;
	v7 =	vadd.f32 v7, v8;
	(erf) = vrcp.f32 v11  }
0x41: {  	v8 =	vmul.f32 $-2.000000000e+00, v3  }
0x42: {  	v11 =	vld [tilespmem:s0+$0x1100]  }
0x43: {  	v3 =	vadd.f32 v9, v7;
	v8 =	vmul.f32 $1.442695020e+00, v8  }
0x44: {  	v7 =	vpop (erf);
	v1 =	vadd.f32 v1, v12  }
0x45: {  	s3 =	simm.s32 $0x60;
	v13 =	vadd.f32 $1.000000000e+00, v7;
	(erf) = vpow2.f32 v8;
	v8 =	vand.u32 $0x7FFFFFFF, v3  }
0x46: {  	v15 =	vand.u32 $0x80000000, v6;
	v9 =	vld [tilespmem:s3+$0x100]  }
0x47: {  	(erf) = vrcp.f32 v13;
	v1 =	vadd.f32 v11, v1;
	v13 =	vmul.f32 $-2.000000000e+00, v8;
	v11 =	vld [tilespmem:s3+$0x900]  }
0x48: {  	vm0 =	vlt.f32 v6, $0.0e+00;
	vm1 =	vgt.f32 v6, $0.0e+00;
	v8 =	vpop (erf)  }
0x49: {  	s11 =	simm.s32 $0x1C0;
	v12 =	vsub.f32 $1.000000000e+00, v10;
	v10 =	vld [tilespmem:s3+$0x1100];
	v14 =	vmul.f32 $1.442695020e+00, v13;
	v13 =	vor.u32 v15, v0;
	v15 =	vpop (erf)  }
.LBB2_3:
0x4a: {  	s23 =	sshra.s32 s11, $0x2  }
0x4b: {  	v16 =	vadd.f32 $1.000000000e+00, v8;
	vm0 =	vmor vm1, vm0;
	v12 =	vmul.f32 v15, v12;
	v15 =	vmovc v7;
	v7 =	vmovc v8;
	s1 =	smov.u32 s30;
	s30 =	smov.u32 s0;
	p0 =	sne.s32 s11, $0x1FC0  }
.Ltmp0:
0x4c: {  	s0 =	smov.u32 s3;
	v17 =	vadd.f32 v11, v9;
	v9 =	vld [tilespmem:s23+$0x100];
	(erf) = vpow2.f32 v14;
	v13 =	vsel vm0, v13, v6;
	v6 =	vmovc v5;
	v5 =	vmovc v4;
	s3 =	smov.u32 s23;
	(pc) =	sbr.rel @p0 .LBB2_3-.Ltmp0, $4  }
0x4d: {  	v14 =	vand.u32 $0x7FFFFFFF, v1;
	v4 =	vmovc v2;
	v2 =	vmovc v3;
	v11 =	vld [tilespmem:s3+$0x900];
	(erf) = vrcp.f32 v16;
	v13 =	vmul.f32 v12, v13  }
0x4e: {  	v3 =	vmov v1;
	v14 =	vmul.f32 $-2.000000000e+00, v14;
	v1 =	vadd.f32 v10, v17  }
0x4f: {  	v16 =	vand.u32 $0x80000000, v6;
	vm0 =	vlt.f32 v6, $0.0e+00;
	v12 =	vsub.f32 $1.000000000e+00, v15;
	v10 =	vld [tilespmem:s3+$0x1100];
	v8 =	vpop (erf);
	[tilespmem:s26+$0x1900] =	vst v13;
	s26 =	smov.u32 s28;
	s28 =	smov.u32 s29;
	s29 =	smov.u32 s31  }
0x50: {  	s11 =	sadd.s32 $0x40, s11;
	vm1 =	vgt.f32 v6, $0.0e+00;
	v14 =	vmul.f32 $1.442695020e+00, v14;
	v13 =	vor.u32 v16, v0;
	s31 =	smov.u32 s1;
	v15 =	vpop (erf)  }
0x51: {  	_ = 	snop  }
0x52: {  	v9 =	vadd.f32 v11, v9;
	_ =	sdelay $0x1  }
0x53: {  	v27 =	vand.u32 $0x7FFFFFFF, v1;
	v9 =	vadd.f32 v10, v9  }
0x54: {  	v28 =	vmul.f32 $-2.000000000e+00, v27  }
0x55: {  	v29 =	vadd.f32 $1.000000000e+00, v8;
	(erf) = vpow2.f32 v14;
	v30 =	vand.u32 $0x7FFFFFFF, v9  }
0x56: {  	v10 =	vmul.f32 $1.442695020e+00, v28;
	v16 =	vpop (erf);
	v14 =	vmul.f32 $-2.000000000e+00, v30  }
0x57: {  	(erf) = vrcp.f32 v29;
	v31 =	vadd.f32 $1.000000000e+00, v16  }
0x58: {  	(erf) = vpow2.f32 v10;
	v32 =	vmul.f32 $1.442695020e+00, v14  }
0x59: {  	(erf) = vrcp.f32 v31  }
0x5a: {  	(erf) = vpow2.f32 v32;
	_ =	sdelay $0x1  }
0x5b: {  	vm0 =	vmor vm1, vm0  }
0x5c: {  	v34 =	vmul.f32 v15, v12;
	v35 =	vand.u32 $0x80000000, v5;
	vm4 =	vlt.f32 v5, $0.0e+00  }
0x5d: {  	v7 =	vsub.f32 $1.000000000e+00, v7;
	vm5 =	vgt.f32 v5, $0.0e+00;
	v40 =	vand.u32 $0x80000000, v4;
	v33 =	vpop (erf)  }
0x5e: {  	vm6 =	vlt.f32 v4, $0.0e+00;
	v42 =	vsub.f32 $1.000000000e+00, v8;
	vm7 =	vgt.f32 v4, $0.0e+00;
	v36 =	vpop (erf)  }
0x5f: {  	v49 =	vand.u32 $0x80000000, v2;
	vm8 =	vlt.f32 v2, $0.0e+00;
	vm9 =	vgt.f32 v2, $0.0e+00;
	v39 =	vpop (erf)  }
0x60: {  	v52 =	vand.u32 $0x80000000, v3;
	vm10 =	vlt.f32 v3, $0.0e+00;
	vm11 =	vgt.f32 v3, $0.0e+00;
	v41 =	vpop (erf)  }
0x61: {  	v55 =	vand.u32 $0x80000000, v1;
	vm12 =	vlt.f32 v1, $0.0e+00;
	v37 =	vadd.f32 $1.000000000e+00, v36;
	v43 =	vpop (erf)  }
0x62: {  	vm13 =	vgt.f32 v1, $0.0e+00;
	v6 =	vsel vm0, v13, v6;
	v44 =	vadd.f32 $1.000000000e+00, v41;
	v46 =	vpop (erf)  }
0x63: {  	v12 =	vor.u32 v35, v0;
	(erf) = vrcp.f32 v37;
	v47 =	vadd.f32 $1.000000000e+00, v46  }
0x64: {  	vm0 =	vmor vm5, vm4;
	v45 =	vor.u32 v40, v0;
	(erf) = vrcp.f32 v44  }
0x65: {  	v38 =	vsel vm0, v12, v5;
	vm0 =	vmor vm7, vm6;
	(erf) = vrcp.f32 v47  }
0x66: {  	v6 =	vmul.f32 v34, v6;
	v48 =	vsel vm0, v45, v4;
	v7 =	vmul.f32 v33, v7  }
0x67: {  	vm0 =	vmor vm9, vm8;
	v50 =	vsub.f32 $1.000000000e+00, v16;
	v60 =	vand.u32 $0x80000000, v9  }
0x68: {  	vm14 =	vlt.f32 v9, $0.0e+00;
	v5 =	vmul.f32 v7, v38;
	v7 =	vor.u32 v49, v0  }
0x69: {  	v2 =	vsel vm0, v7, v2;
	v7 =	vor.u32 v52, v0;
	vm0 =	vmor vm11, vm10  }
0x6a: {  	vm15 =	vgt.f32 v9, $0.0e+00;
	v62 =	vor.u32 v60, v0;
	v3 =	vsel vm0, v7, v3  }
0x6b: {  	v7 =	vor.u32 v55, v0;
	v53 =	vsub.f32 $1.000000000e+00, v36;
	v8 =	vmul.f32 v39, v42  }
0x6c: {  	vm0 =	vmor vm13, vm12;
	v56 =	vsub.f32 $1.000000000e+00, v41;
	v51 =	vmul.f32 v43, v50;
	v54 =	vpop (erf)  }
0x6d: {  	[tilespmem:s26+$0x1900] =	vst v6;
	v4 =	vmul.f32 v8, v48;
	v59 =	vsub.f32 $1.000000000e+00, v46;
	v8 =	vmul.f32 v54, v53;
	v57 =	vpop (erf)  }
0x6e: {  	[tilespmem:s28+$0x1900] =	vst v5;
	v1 =	vsel vm0, v7, v1;
	v2 =	vmul.f32 v51, v2;
	v58 =	vmul.f32 v57, v56;
	v61 =	vpop (erf)  }
0x6f: {  	vm0 =	vmor vm15, vm14;
	[tilespmem:s29+$0x1900] =	vst v4;
	v3 =	vmul.f32 v8, v3;
	v63 =	vmul.f32 v61, v59  }
0x70: {  	[tilespmem:s31+$0x1900] =	vst v2;
	v2 =	vsel vm0, v62, v9;
	v1 =	vmul.f32 v58, v1  }
0x71: {  	s24 =	sadd.s32 $0x1, s24;
	[tilespmem:s30+$0x1900] =	vst v3;
	v2 =	vmul.f32 v63, v2  }
0x72: {  	p0 =	sne.s32 s24, s10;
	[tilespmem:s0+$0x1900] =	vst v1  }
.Ltmp1:
0x73: {  	s31 =	sadd.s32 s8, s25;
	[tilespmem:s3+$0x1900] =	vst v2;
	(pc) =	sbr.rel @p0 .LBB2_2-.Ltmp1, $4  }
0x74: {  	[hbm4b:s31+s2] =	stream.linear.scatter [tilespmem:s21], [sflag:$0x6], $0x800, $0x38;
	[tilespmem:$0x2100] =	vst v63  }
0x75: {  	_ =	swait.ge [sflag:s22], $0x800  }
0x76: {  	[sflag:s22] =	ssyncset.done $0x0  }
0x77: {  	[sflag:s22] =	ssyncadd.s32 $0xFFFFF800  }
0x78: {  	s1 =	rddreg [dreg:$0x4]  }
0x79: {  	s0 =	rddreg [dreg:$0x3];
	s1 =	sadd.s32 $0x1, s1  }
0x7a: {  	p0 =	sne.s32 s1, s0  }
.Ltmp2:
0x7b: {  	_ = 	snop;
	(pc) =	sbr.rel @p0 .LBB2_1-.Ltmp2, $1  }
0x7c: {  	_ =	sdelay $0x3  }
0x7d: {  	_ =	sfence.sel $0x180000  }
0x7e: {  	[bflag:$0x0] =	sbarrier.arrive $0xFFFF  }
0x7f: {  	_ =	strace $0x9000004A  }
0x80: {  	s0 =	stileid.u32;
	[bflag:$0x2] =	sbarrier.arrive $0xFFFF  }
0x81: {  	p0 =	sne.s32 s0, $0x0;
	s0 =	rddreg [dreg:$0x2]  }
0x82: {  	s0 =	sadd.s32 @!p0 $0x100000, s0  }
0x83: {  	[sflag:s0] =	ssyncadd.tile.s32 @!p0 $0x1;
	_ =	shalt  }
.Lfunc_end2:
_tile_overlayer_lowered:
.L_overlay_start_2:
0x84: {  	(tag) =	ssettag $0x2  }
0x85: {  	s0 =	rddreg [dreg:$0x0];
	s2 =	stileid.u32  }
0x86: {  	s1 =	rddreg [dreg:$0x1];
	p0 =	sne.s32 s2, $0x0  }
0x87: {  	s3 =	rddreg [dreg:$0x2];
	[bflag:$0x3] =	sbarrier.arrive $0xFFFF;
	s2 =	simm.s32 @!p0 $0x1C06  }
0x88: {  	[timem:s3], [sflag:s2] =	dma.local @!p0 [hbm:s0], s1  }
0x89: {  	s0 =	simm.s32 @!p0 $0x6  }
0x8a: {  	_ =	swait.ge @!p0 [sflag:s0], s1  }
0x8b: {  	s1 =	ssub.s32 @!p0 $0x0, s1;
	[sflag:s0] =	ssyncset.done @!p0 $0x0  }
0x8c: {  	[sflag:s0] =	ssyncadd.s32 @!p0 s1  }
0x8d: {  	[bflag:$0x3] =	sbarrier.arrive $0xFFFF  }
0x8e: {  	_ =	shalt  }

// kernel: kernel.7.cloned.1.call-start
scs
__scs_entry_jumppad:
0x0: {  	(pc) =	sbr.rel $0x88, $3  }
0x1: {  	(tag) =	ssettag $0x0;
	lr =	simm.s32 $0x1  }
0x2: {  	[smem:$0x3F98] =	sst lr;
	_ =	strace $0xD0000000  }
0x3: {  	_ = 	snop  }
0x4: {  	_ = 	snop  }
0x5: {  	_ = 	snop  }
0x6: {  	_ = 	snop  }
0x7: {  	_ = 	snop  }
__scs_overlays_trampoline_lowered:
0x8: {  	[smem:$0x3FA7] =	sst s0  }
0x9: {  	[smem:$0x3FA8] =	sst s1  }
0xa: {  	[smem:$0x3FA9] =	sst s2  }
0xb: {  	[smem:$0x3FAA] =	sst s3  }
0xc: {  	[smem:$0x3FAB] =	sst s4  }
0xd: {  	[smem:$0x3FAC] =	sst s5  }
0xe: {  	[smem:$0x3FAD] =	sst s6  }
0xf: {  	[smem:$0x3FAE] =	sst s7  }
0x10: {  	[smem:$0x3FAF] =	sst s8  }
0x11: {  	[smem:$0x3FB0] =	sst s9;
	s0 =	simm.s32 @!p0 $0x0  }
0x12: {  	s1 =	sld [smem:$0x3F96];
	s0 =	simm.s32 @p0 $0x1  }
0x13: {  	[smem:$0x3FB1] =	sst s0;
	s0 =	simm.s32 @!p1 $0x0  }
0x14: {  	s2 =	sld [smem:$0x3F95];
	s0 =	simm.s32 @p1 $0x1  }
0x15: {  	[smem:$0x3FB2] =	sst s0;
	s0 =	simm.s32 @!p2 $0x0  }
0x16: {  	s3 =	sld [smem:$0x3FDB];
	s0 =	simm.s32 @p2 $0x1  }
0x17: {  	s4 =	simm.s32 $0x1BF5;
	[smem:$0x3FB4] =	sst s0  }
0x18: {  	s0 =	sld [smem:$0x3F97];
	_ =	swait.ge [sflag:s4], $0x0  }
0x19: {  	s7 =	sld [smem:$0x3F98]  }
0x1a: {  	s8 =	sadd.s32 $0xFFFFE003, lr  }
0x1b: {  	s9 =	sadd.s32 $0xFFFFFEF7, lr;
	s5 =	simm.s32 $0xFFFFFFFF;
	p2 =	slt.u32 s8, $0xFFFFF086  }
0x1c: {  	p1 =	slt.u32 s9, $0xF7A;
	s5 =	simm.s32 @!p2 $0x0  }
0x1d: {  	s5 =	simm.s32 @p1 $0x1;
	p0 =	seq.s32 s7, s2  }
0x1e: {  	s7 =	smul.u32 @!p0 $0xF7A, s2;
	p2 =	seq.s32 @!p0 s5, $0x0  }
0x1f: {  	s9 =	smul.u32 $0xF7A, s1;
	s8 =	simm.s32 @!p0 $0x1BF5;
	p2 =	por !p2, p0  }
0x20: {  	[sflag:s8] =	ssyncset.s32 @!p0 $0xFFFFF086;
	s6 =	sadd.s32 @!p0 s3, s7;
	s7 =	simm.s32 @!p0 $0x108  }
0x21: {  	s3 =	sadd.s32 s3, s9;
	s6 =	sadd.s32 @!p0 $0x88, s6;
	s7 =	simm.s32 @p2 $0x1082  }
0x22: {  	[simem:s7], [sflag:s8] =	dma.local @!p0 [hbm:s6], $0xF7A  }
0x23: {  	s9 =	sor.u32 $0xD0000000, s2;
	s6 =	simm.s32 $0x108;
	_ =	swait.ge @!p0 [sflag:s8], $0x0  }
0x24: {  	s3 =	sadd.s32 $0x88, s3;
	s6 =	simm.s32 @!p1 $0x1082;
	[sflag:s4] =	ssyncset.s32 $0xFFFFF086  }
0x25: {  	[simem:s6], [sflag:s4] =	dma.local [hbm:s3], $0xF7A  }
0x26: {  	[smem:$0x3F98] =	sst s1;
	(tag) =	ssettag s2;
	_ =	strace s9  }
0x27: {  	s1 =	sld [smem:$0x3FA8]  }
0x28: {  	s2 =	sld [smem:$0x3FA9]  }
0x29: {  	s4 =	sld [smem:$0x3FAB]  }
0x2a: {  	p0 =	seq.s32 s5, $0x0;
	s5 =	sld [smem:$0x3FAC]  }
0x2b: {  	s6 =	sld [smem:$0x3FAD]  }
0x2c: {  	s7 =	sld [smem:$0x3FAE]  }
0x2d: {  	s3 =	simm.s32 $0x108;
	s8 =	sld [smem:$0x3FAF]  }
0x2e: {  	s3 =	simm.s32 @!p0 $0x1082;
	s9 =	sld [smem:$0x3FB0]  }
0x2f: {  	lr =	sadd.s32 s0, s3;
	s0 =	sld [smem:$0x3FA7]  }
0x30: {  	s3 =	sld [smem:$0x3FAA]  }
0x31: {  	[smem:$0x3FB3] =	sst s10  }
0x32: {  	s10 =	sld [smem:$0x3FB1];
	_ =	sdelay $0x3  }
0x33: {  	p0 =	seq.s32 s10, $0x1;
	s10 =	sld [smem:$0x3FB3];
	_ =	sdelay $0x3  }
0x34: {  	[smem:$0x3FB3] =	sst s10  }
0x35: {  	s10 =	sld [smem:$0x3FB2];
	_ =	sdelay $0x3  }
0x36: {  	p1 =	seq.s32 s10, $0x1;
	s10 =	sld [smem:$0x3FB3];
	_ =	sdelay $0x3  }
0x37: {  	[smem:$0x3FB3] =	sst s10  }
0x38: {  	s10 =	sld [smem:$0x3FB4]  }
0x39: {  	_ = 	snop;
	(pc) =	sbr.ind lr, $3  }
0x3a: {  	_ = 	snop  }
0x3b: {  	_ = 	snop  }
0x3c: {  	p2 =	seq.s32 s10, $0x1;
	s10 =	sld [smem:$0x3FB3]  }
0x3d: {  	_ =	shalt  }
0x3e: {  	_ =	shalt  }
0x3f: {  	_ =	shalt  }
0x40: {  	_ =	shalt  }
0x41: {  	_ =	shalt  }
0x42: {  	_ =	shalt  }
0x43: {  	_ =	shalt  }
0x44: {  	_ =	shalt  }
0x45: {  	_ =	shalt  }
0x46: {  	_ =	shalt  }
0x47: {  	_ =	shalt  }
0x48: {  	_ =	shalt  }
0x49: {  	_ =	shalt  }
0x4a: {  	_ =	shalt  }
0x4b: {  	_ =	shalt  }
0x4c: {  	_ =	shalt  }
0x4d: {  	_ =	shalt  }
0x4e: {  	_ =	shalt  }
0x4f: {  	_ =	shalt  }
0x50: {  	_ =	shalt  }
0x51: {  	_ =	shalt  }
0x52: {  	_ =	shalt  }
0x53: {  	_ =	shalt  }
0x54: {  	_ =	shalt  }
0x55: {  	_ =	shalt  }
0x56: {  	_ =	shalt  }
0x57: {  	_ =	shalt  }
0x58: {  	_ =	shalt  }
0x59: {  	_ =	shalt  }
0x5a: {  	_ =	shalt  }
0x5b: {  	_ =	shalt  }
0x5c: {  	_ =	shalt  }
0x5d: {  	_ =	shalt  }
0x5e: {  	_ =	shalt  }
0x5f: {  	_ =	shalt  }
0x60: {  	_ =	shalt  }
0x61: {  	_ =	shalt  }
0x62: {  	_ =	shalt  }
0x63: {  	_ =	shalt  }
0x64: {  	_ =	shalt  }
0x65: {  	_ =	shalt  }
0x66: {  	_ =	shalt  }
0x67: {  	_ =	shalt  }
0x68: {  	_ =	shalt  }
0x69: {  	_ =	shalt  }
0x6a: {  	_ =	shalt  }
0x6b: {  	_ =	shalt  }
0x6c: {  	_ =	shalt  }
0x6d: {  	_ =	shalt  }
0x6e: {  	_ =	shalt  }
0x6f: {  	_ =	shalt  }
0x70: {  	_ =	shalt  }
0x71: {  	_ =	shalt  }
0x72: {  	_ =	shalt  }
0x73: {  	_ =	shalt  }
0x74: {  	_ =	shalt  }
0x75: {  	_ =	shalt  }
0x76: {  	_ =	shalt  }
0x77: {  	_ =	shalt  }
0x78: {  	_ =	shalt  }
0x79: {  	_ =	shalt  }
0x7a: {  	_ =	shalt  }
0x7b: {  	_ =	shalt  }
0x7c: {  	_ =	shalt  }
0x7d: {  	_ =	shalt  }
0x7e: {  	_ =	shalt  }
0x7f: {  	_ =	shalt  }
0x80: {  	_ =	shalt  }
0x81: {  	_ =	shalt  }
0x82: {  	_ =	shalt  }
0x83: {  	_ =	shalt  }
0x84: {  	_ =	shalt  }
0x85: {  	_ =	shalt  }
0x86: {  	_ =	shalt  }
0x87: {  	_ =	shalt  }
.Lfunc_end0:
.L_simem_size_0:
called_computation_lowered:
.L_overlay_start_0:
0x88: {  	s2 =	sld [smem:$0x3FD9]  }
0x89: {  	s3 =	sld [smem:$0x3FFE];
	_ =	sdelay $0x1  }
0x8a: {  	s1 =	srdreg.scid  }
0x8b: {  	s0 =	sand.u32 $0x1, s1  }
0x8c: {  	s14 =	sshll.u32 s0, $0xA;
	s2 =	sadd.s32 s3, s2  }
0x8d: {  	s2 =	sadd.s32 s2, s14  }
0x8e: {  	[smem:$0x3FBF] =	sst s2  }
0x8f: {  	_ = 	snop  }
0x90: {  	s2 =	sld [smem:$0x3FD0];
	_ =	sdelay $0x2  }
0x91: {  	s15 =	simm.s32 $0xA;
	s4 =	simm.s32 $0x10  }
0x92: {  	[smem:s4], [sflag:s15] =	dma.local [hbm:s2], $0x1  }
0x93: {  	_ =	swait.eq [sflag:s15], $0x1  }
0x94: {  	[sflag:s15] =	ssyncset.done $0x0  }
0x95: {  	[sflag:s15] =	ssyncadd.s32 $0xFFFFFFFF  }
0x96: {  	s16 =	sld [smem:$0x10];
	(tm) =	ssettm $0x1  }
0x97: {  	s17 =	sld [smem:$0x3FFB];
	_ =	sdelay $0x3  }
0x98: {  	_ =	strace s17  }
0x99: {  	s3 =	sld [smem:$0x3FFC];
	_ =	sdelay $0x3  }
0x9a: {  	_ =	strace s3  }
0x9b: {  	s3 =	sld [smem:$0x3FFD];
	_ =	sdelay $0x3  }
0x9c: {  	_ =	strace s3  }
0x9d: {  	_ =	strace $0x8FFFFFFF  }
0x9e: {  	s18 =	sld [smem:$0x3FDB];
	_ =	sdelay $0x1  }
0x9f: {  	s19 =	simm.s32 $_scs_section_size  }
0xa0: {  	s5 =	simm.s32 $_size__tile_overlayer_lowered;
	s6 =	simm.s32 $_tile_overlayer_lowered  }
0xa1: {  	s22 =	simm.s32 $0x1BFF;
	s21 =	sshll.u32 s6, $0x1;
	s3 =	sadd.s32 s19, s18  }
0xa2: {  	s7 =	simm.s32 $0x0;
	s20 =	sshll.u32 s5, $0x1;
	s5 =	sadd.s32 s21, s3  }
0xa3: {  	[timem:s7], [sflag:s22] =	dma.local [hbm:s5], s20  }
0xa4: {  	_ =	swait.ge [sflag:s22], s20  }
0xa5: {  	s4 =	ssub.s32 $0x0, s20;
	[sflag:s22] =	ssyncset.done $0x0  }
0xa6: {  	[sflag:s22] =	ssyncadd.s32 s4;
	_ =	sdelay $0x1  }
0xa7: {  	s23 =	simm.s32 $0x1B8B  }
0xa8: {  	_ =	swait.ge [sflag:s23], $0x1  }
0xa9: {  	[sflag:s23] =	ssyncset.done $0x0  }
0xaa: {  	s25 =	simm.s32 $0x1B8E;
	s24 =	sld [smem:$0x3FFE];
	[sflag:s23] =	ssyncadd.s32 $0xFFFFFFFF  }
0xab: {  	s26 =	simm.s32 $execute0_lowered;
	[smem:$0x3FD2] =	sst s25  }
0xac: {  	s5 =	sshll.u32 s26, $0x1;
	_ =	strace $0x80000046;
	[dreg:$0x1] =	wrdreg $0xFFFFFFFF  }
0xad: {  	s28 =	simm.s32 $_size_execute0_lowered;
	s3 =	sadd.s32 s3, s5;
	[dreg:$0x0] =	wrdreg $0x0  }
0xae: {  	s5 =	sshll.u32 s28, $0x1;
	[dreg:$0x2] =	wrdreg s3  }
0xaf: {  	[dreg:$0x3] =	wrdreg s5  }
0xb0: {  	[dreg:$0x4] =	wrdreg $0xC0  }
0xb1: {  	_ =	task [dreg:s7], $0x5FFFF  }
0xb2: {  	[dreg:$0x1] =	wrdreg $0xFFFFFFFF  }
0xb3: {  	[dreg:$0x0] =	wrdreg $0x60  }
0xb4: {  	[dreg:$0x2] =	wrdreg s16  }
0xb5: {  	[dreg:$0x3] =	wrdreg s24  }
0xb6: {  	[dreg:$0x4] =	wrdreg $0xA8100  }
0xb7: {  	[dreg:$0x5] =	wrdreg $0x9  }
0xb8: {  	_ =	task.clear_ibuf [dreg:s7], $0x6FFFF;
	_ =	strace $0x90000046  }
0xb9: {  	s29 =	simm.s32 $0x9;
	_ =	strace $0x80000048  }
0xba: {  	_ =	swait.ge [sflag:s29], $0x1  }
0xbb: {  	[sflag:s29] =	ssyncadd.s32 $0xFFFFFFFF  }
0xbc: {  	_ =	strace $0x90000048  }
0xbd: {  	_ =	sfence  }
0xbe: {  	s30 =	sld [smem:$0x0];
	_ =	sdelay $0x2  }
0xbf: {  	s31 =	sshll.u32 s1, $0xD;
	s1 =	sshrl.u32 s1, $0x2  }
0xc0: {  	s3 =	sand.u32 $0x4000, s31;
	s1 =	sadd.s32 s1, s30  }
0xc1: {  	s0 =	sor.u32 s3, s0;
	s1 =	sshll.u32 s1, $0x11  }
0xc2: {  	s0 =	sor.u32 s1, s0  }
0xc3: {  	s0 =	sadd.s32 $0x8F2B, s0  }
0xc4: {  	[sflag:s0] =	ssyncadd.remote.s32 $0x1  }
0xc5: {  	_ =	sfence.sel $0xFFFF  }
0xc6: {  	[dreg:$0x0] =	wrdreg $0xFFFFFFFF;
	(pc) =	sbr.abs _section_cstart, $3  }
0xc7: {  	[dreg:$0x1] =	wrdreg $0xFFFFFFFF  }
0xc8: {  	_ =	task.clear_ibuf [dreg:s7], $0x2FFFF;
	_ =	strace $0x9FFFFFFF  }
0xc9: {  	(tm) =	ssettm $0x7FFFFFFF  }
tec
execute0_lowered:
.L_overlay_start_1:
0x0: {  	(tag) =	ssettag $0x1  }
0x1: {  	s1 =	rddreg [dreg:$0x0]  }
0x2: {  	s8 =	rddreg [dreg:$0x1]  }
0x3: {  	s2 =	rddreg [dreg:$0x2];
	s3 =	srdreg.scid  }
0x4: {  	s0 =	rddreg [dreg:$0x3];
	s4 =	simm.s32 $0x0;
	s16 =	simm.s32 $0x5  }
0x5: {  	s17 =	simm.s32 $0x80;
	s18 =	simm.s32 $0x4100;
	s19 =	simm.s32 $0x1  }
0x6: {  	s20 =	simm.s32 $0x2;
	s21 =	simm.s32 $0x8100;
	s22 =	simm.s32 $0x3  }
0x7: {  	s23 =	simm.s32 $0x4;
	s9 =	sand.u32 $0x1, s3;
	[smem:$0x7FF] =	sst s4  }
0x8: {  	s3 =	stileid.u32;
	s5 =	sadd.s32 $0x9DAC00, s8;
	s6 =	smul.u32 $0x138800, s9  }
0x9: {  	s24 =	simm.s32 $0x0;
	s7 =	smul.u32 $0x2800, s3;
	_ =	strace $0x80000047  }
0xa: {  	s10 =	sshll.u32 s3, $0x1;
	s30 =	ssub.s32 $0x8C, s3;
	s15 =	smul.u32 $0xA000, s3  }
0xb: {  	s11 =	sor.u32 s9, s10;
	s9 =	ssub.s32 $0x2, s9;
	s7 =	sadd.s32 s7, s6  }
0xc: {  	s6 =	sadd.s32 $0xCE00, s8;
	s12 =	smul.u32 $0x4E2, s11;
	s29 =	sshrl.u32 s9, $0x1  }
0xd: {  	s31 =	sshrl.u32 s15, $0x2;
	s15 =	simm.s32 $0x100;
	s26 =	sshrl.u32 s7, $0x3  }
0xe: {  	s7 =	sadd.s32 $0x3000, s8;
	s13 =	ssub.s32 s9, s29;
	s9 =	sshll.u32 s11, $0x7  }
0xf: {  	s11 =	ssub.s32 $0x9E3, s11;
	s14 =	sadd.s32 s26, s8;
	s28 =	sadd.s32 s12, s8  }
0x10: {  	v0 =	vimm.f32 $1.000000000e+00;
	s8 =	sshrl.u32 s30, $0x4;
	s11 =	sshrl.u32 s11, $0x5;
	s12 =	smax.u32 s13, $0x1  }
0x11: {  	v1 =	vimm.f32 $0.0e+00;
	v2 =	vand.u32 $0x7FFFFFFF, v0;
	s13 =	sadd.s32 s31, s2;
	s10 =	sadd.s32 $0x16C00, s28;
	s14 =	sadd.s32 $0x20A00, s14  }
.LBB2_1:
0x12: {  	s25 =	simm.s32 $0x0  }
.LBB2_2:
0x13: {  	p0 =	sne.s32 s25, $0x9C00  }
.Ltmp0:
0x14: {  	_ = 	snop;
	(pc) =	sbr.rel @p0 .LBB2_2-.Ltmp0, $3  }
0x15: {  	_ =	sdelay $0x1  }
0x16: {  	s26 =	sshra.s32 s25, $0x2  }
0x17: {  	s25 =	sadd.s32 $0x40, s25;
	[tilespmem:s26+$0x8100] =	vst v1  }
0x18: {  	s25 =	simm.s32 $0x0;
	s26 =	simm.s32 $0x200  }
.LBB2_4:
0x19: {  	p0 =	sne.s32 s26, $0xFE00;
	[tilespmem:s25+$0x170] =	vst v1  }
0x1a: {  	[tilespmem:s25+$0x100] =	vst v1  }
0x1b: {  	[tilespmem:s25+$0x110] =	vst v1  }
.Ltmp1:
0x1c: {  	[tilespmem:s25+$0x120] =	vst v1;
	(pc) =	sbr.rel @p0 .LBB2_4-.Ltmp1, $4  }
0x1d: {  	[tilespmem:s25+$0x130] =	vst v1  }
0x1e: {  	[tilespmem:s25+$0x140] =	vst v1  }
0x1f: {  	[tilespmem:s25+$0x150] =	vst v1  }
0x20: {  	[tilespmem:s25+$0x160] =	vst v1;
	s25 =	sshra.s32 s26, $0x2;
	s26 =	sadd.s32 $0x200, s26  }
0x21: {  	[tilespmem:s25+$0x170] =	vst v1  }
0x22: {  	[tilespmem:s25+$0x100] =	vst v1  }
0x23: {  	[tilespmem:s25+$0x110] =	vst v1  }
0x24: {  	[tilespmem:s25+$0x120] =	vst v1  }
0x25: {  	[tilespmem:s25+$0x130] =	vst v1  }
0x26: {  	[tilespmem:s25+$0x140] =	vst v1;
	p0 =	sne.s32 s8, $0x1  }
.Ltmp2:
0x27: {  	[tilespmem:s25+$0x150] =	vst v1;
	(pc) =	sbr.rel @!p0 .LBB2_7-.Ltmp2, $4  }
0x28: {  	[tilespmem:s25+$0x160] =	vst v1  }
0x29: {  	[spmem:s13] =	stream.linear.scatter [tilespmem:s15], [sflag:$0x5], $0x2800, $0x38;
	[tilespmem:$0x1E090] =	vst v63  }
0x2a: {  	_ =	swait.ge [sflag:s16], $0x2800  }
0x2b: {  	s25 =	sadd.s32 $0xFFFFFFFF, s8;
	s26 =	smov.u32 s13;
	[sflag:s16] =	ssyncset.done $0x0  }
.LBB2_6:
0x2c: {  	p1 =	sne.s32 s25, $0x1;
	[sflag:s16] =	ssyncadd.s32 $0xFFFFD800;
	s26 =	sadd.s32 $0x28000, s26  }
.Ltmp3:
0x2d: {  	s25 =	sadd.s32 $0xFFFFFFFF, s25;
	(pc) =	sbr.rel @p1 .LBB2_6-.Ltmp3, $4  }
0x2e: {  	_ = 	snop  }
0x2f: {  	[spmem:s26] =	stream.linear.scatter [tilespmem:s15], [sflag:$0x5], $0x2800, $0x38;
	[tilespmem:$0x1E090] =	vst v63  }
0x30: {  	_ =	swait.ge [sflag:s16], $0x2800  }
0x31: {  	[sflag:s16] =	ssyncset.done $0x0  }
.LBB2_7:
0x32: {  	[sflag:s16] =	ssyncadd.s32 $0xFFFFD800  }
0x33: {  	s25 =	simm.s32 $0x0;
	s26 =	simm.s32 $0x0;
	[bflag:$0x0] =	sbarrier.arrive $0xFFFF  }
.LBB2_8:
0x34: {  	s28 =	sshll.u32 s26, $0xC  }
0x35: {  	s28 =	sor.u32 s9, s28  }
0x36: {  	s29 =	sshrl.u32 s28, $0x3  }
0x37: {  	s28 =	sshll.u32 s28, $0x4;
	s30 =	sadd.s32 s6, s29  }
0x38: {  	[tilespmem:s25], [sflag:$0x1] =	stream.linear.gather [hbm4b:s30+s25], $0x80, $0x38;
	[tilespmem:$0x1E090] =	vst v63  }
0x39: {  	s29 =	sadd.s32 s7, s29;
	s28 =	sand.u32 $0x1FFFF800, s28  }
0x3a: {  	[tilespmem:s17], [sflag:$0x2] =	stream.linear.gather [hbm4b:s29+s25], $0x80, $0x38;
	[tilespmem:$0x1E090] =	vst v63  }
0x3b: {  	s28 =	sadd.s32 s5, s28  }
0x3c: {  	[tilespmem:s18], [sflag:$0x3] =	stream.linear.gather [hbm4b:s28+s25], $0x4000, $0x38;
	[tilespmem:$0x1E090] =	vst v63  }
0x3d: {  	_ =	swait.ge [sflag:s19], $0x80  }
0x3e: {  	[sflag:s19] =	ssyncset.done $0x0  }
0x3f: {  	[sflag:s19] =	ssyncadd.s32 $0xFFFFFF80  }
0x40: {  	[tilespmem:s15], [sflag:$0x4] =	stream.indirect.gather [hbm4b:s1+s17], $0x80, s25, s17, $0xb8;
	[tilespmem:$0x1E090] =	vst v63  }
0x41: {  	_ =	swait.ge [sflag:s20], $0x80  }
0x42: {  	[sflag:s20] =	ssyncset.done $0x0  }
0x43: {  	[sflag:s20] =	ssyncadd.s32 $0xFFFFFF80  }
0x44: {  	v3 =	vld [tilespmem:$0x80];
	_ =	sdelay $0x7  }
0x45: {  	[tilespmem:v3+s21+$0x0] =	vst.idx.add.f32.msk $0xffff, v0  }
0x46: {  	v3 =	vld [tilespmem:$0x90];
	_ =	sdelay $0x7  }
0x47: {  	[tilespmem:v3+s21+$0x0] =	vst.idx.add.f32.msk $0xffff, v0  }
0x48: {  	v3 =	vld [tilespmem:$0xA0];
	_ =	sdelay $0x7  }
0x49: {  	[tilespmem:v3+s21+$0x0] =	vst.idx.add.f32.msk $0xffff, v0  }
0x4a: {  	v3 =	vld [tilespmem:$0xB0];
	_ =	sdelay $0x7  }
0x4b: {  	[tilespmem:v3+s21+$0x0] =	vst.idx.add.f32.msk $0xffff, v0  }
0x4c: {  	v3 =	vld [tilespmem:$0xC0];
	_ =	sdelay $0x7  }
0x4d: {  	[tilespmem:v3+s21+$0x0] =	vst.idx.add.f32.msk $0xffff, v0  }
0x4e: {  	v3 =	vld [tilespmem:$0xD0];
	_ =	sdelay $0x7  }
0x4f: {  	[tilespmem:v3+s21+$0x0] =	vst.idx.add.f32.msk $0xffff, v0  }
0x50: {  	v3 =	vld [tilespmem:$0xE0];
	_ =	sdelay $0x7  }
0x51: {  	[tilespmem:v3+s21+$0x0] =	vst.idx.add.f32.msk $0xffff, v0  }
0x52: {  	v3 =	vld [tilespmem:$0xF0];
	_ =	sdelay $0x7  }
0x53: {  	[tilespmem:v3+s21+$0x0] =	vst.idx.add.f32.msk $0xffff, v0  }
0x54: {  	_ =	swait.ge [sflag:s22], $0x4000  }
0x55: {  	[sflag:s22] =	ssyncset.done $0x0  }
0x56: {  	[sflag:s22] =	ssyncadd.s32 $0xFFFFC000  }
0x57: {  	_ =	swait.ge [sflag:s23], $0x4000  }
0x58: {  	[sflag:s23] =	ssyncset.done $0x0  }
0x59: {  	s28 =	simm.s32 $0x0;
	[sflag:s23] =	ssyncadd.s32 $0xFFFFC000  }
0x5a: {  	v3 =	vld [tilespmem:s28+$0x4170]  }
0x5b: {  	v4 =	vld [tilespmem:s28+$0x4110]  }
0x5c: {  	v6 =	vld [tilespmem:s28+$0x4130]  }
0x5d: {  	v5 =	vld [tilespmem:s28+$0x170]  }
0x5e: {  	v7 =	vld [tilespmem:s28+$0x4140]  }
0x5f: {  	v8 =	vld [tilespmem:s28+$0x140]  }
0x60: {  	v9 =	vld [tilespmem:s28+$0x4160]  }
0x61: {  	v10 =	vld [tilespmem:s28+$0x160]  }
0x62: {  	v11 =	vld [tilespmem:s28+$0x130]  }
0x63: {  	v12 =	vld [tilespmem:s28+$0x110];
	_ =	sdelay $0x2  }
0x64: {  	v3 =	vadd.f32 v3, v5  }
0x65: {  	v14 =	vadd.f32 v7, v8;
	v5 =	vadd.f32 v9, v10  }
0x66: {  	v15 =	vadd.f32 v6, v11;
	v11 =	vadd.f32 v4, v12;
	v7 =	vand.u32 $0x80000000, v3  }
0x67: {  	v17 =	vld [tilespmem:s28+$0x4100];
	vm0 =	vgt.f32 v3, $0.0e+00;
	v8 =	vand.u32 $0x7FFFFFFF, v3;
	vm1 =	vlt.f32 v3, $0.0e+00  }
0x68: {  	v9 =	vld [tilespmem:s28+$0x4150];
	v13 =	vand.u32 $0x7FFFFFFF, v14;
	v10 =	vand.u32 $0x7FFFFFFF, v5;
	v16 =	vand.u32 $0x7FFFFFFF, v15  }
0x69: {  	v6 =	vld [tilespmem:s28+$0x150];
	vm2 =	vlt.f32 v15, $0.0e+00;
	v18 =	vand.u32 $0x7FFFFFFF, v11;
	vm3 =	vgt.f32 v15, $0.0e+00  }
0x6a: {  	v12 =	vld [tilespmem:s28+$0x100];
	vm4 =	vgt.f32 v14, $0.0e+00;
	vm7 =	vlt.f32 v14, $0.0e+00;
	v8 =	vmul.f32 $-2.000000000e+00, v8  }
0x6b: {  	v13 =	vmul.f32 $-2.000000000e+00, v13;
	v7 =	vor.u32 v7, v2;
	v4 =	vmul.f32 $-2.000000000e+00, v10  }
0x6c: {  	v10 =	vand.u32 $0x80000000, v5;
	v18 =	vmul.f32 $-2.000000000e+00, v18;
	v8 =	vmul.f32 $1.442695020e+00, v8  }
0x6d: {  	vm2 =	vmor vm3, vm2;
	vm3 =	vgt.f32 v11, $0.0e+00;
	v13 =	vmul.f32 $1.442695020e+00, v13  }
0x6e: {  	v19 =	vmul.f32 $1.442695020e+00, v4;
	v4 =	vadd.f32 v9, v6;
	(erf) = vpow2.f32 v8  }
0x6f: {  	vm7 =	vmor vm4, vm7;
	v6 =	vadd.f32 v17, v12;
	v8 =	vmul.f32 $-2.000000000e+00, v16  }
0x70: {  	v12 =	vld [tilespmem:s28+$0x120];
	v16 =	vand.u32 $0x80000000, v15;
	v9 =	vand.u32 $0x7FFFFFFF, v4;
	(erf) = vpow2.f32 v13  }
0x71: {  	v16 =	vor.u32 v16, v2;
	v13 =	vld [tilespmem:s28+$0x4120];
	v20 =	vmul.f32 $1.442695020e+00, v8;
	(erf) = vpow2.f32 v19  }
0x72: {  	v18 =	vmul.f32 $1.442695020e+00, v18;
	v8 =	vsel vm2, v16, v15;
	v16 =	vmul.f32 $-2.000000000e+00, v9  }
0x73: {  	v17 =	vand.u32 $0x7FFFFFFF, v6;
	vm8 =	vgt.f32 v4, $0.0e+00;
	(erf) = vpow2.f32 v20  }
0x74: {  	v17 =	vmul.f32 $-2.000000000e+00, v17;
	v9 =	vand.u32 $0x80000000, v4;
	v16 =	vmul.f32 $1.442695020e+00, v16  }
0x75: {  	v15 =	vand.u32 $0x80000000, v11;
	vm2 =	vlt.f32 v11, $0.0e+00;
	(erf) = vpow2.f32 v18  }
0x76: {  	v12 =	vadd.f32 v13, v12;
	v13 =	vmul.f32 $1.442695020e+00, v17;
	(erf) = vpow2.f32 v16  }
0x77: {  	v15 =	vor.u32 v15, v2;
	vm5 =	vmor vm3, vm2;
	vm3 =	vlt.f32 v4, $0.0e+00;
	v21 =	vpop (erf)  }
0x78: {  	v17 =	vand.u32 $0x80000000, v14;
	(erf) = vpow2.f32 v13;
	v19 =	vadd.f32 $1.000000000e+00, v21  }
0x79: {  	v16 =	vand.u32 $0x7FFFFFFF, v12;
	vm2 =	vlt.f32 v12, $0.0e+00;
	vm6 =	vgt.f32 v12, $0.0e+00;
	v18 =	vpop (erf)  }
0x7a: {  	v16 =	vmul.f32 $-2.000000000e+00, v16;
	v22 =	vadd.f32 $1.000000000e+00, v18;
	v20 =	vpop (erf);
	(erf) = vrcp.f32 v19  }
0x7b: {  	v13 =	vand.u32 $0x80000000, v6;
	vm4 =	vmor vm6, vm2;
	v25 =	vadd.f32 $1.000000000e+00, v20  }
0x7c: {  	vm2 =	vgt.f32 v6, $0.0e+00;
	vm6 =	vlt.f32 v5, $0.0e+00;
	v19 =	vpop (erf);
	(erf) = vrcp.f32 v22  }
0x7d: {  	v24 =	vmul.f32 $1.442695020e+00, v16;
	v16 =	vor.u32 v17, v2;
	(erf) = vrcp.f32 v25  }
0x7e: {  	v21 =	vsub.f32 $1.000000000e+00, v21;
	v16 =	vsel vm7, v16, v14;
	v17 =	vpop (erf);
	v23 =	vadd.f32 $1.000000000e+00, v19  }
0x7f: {  	s29 =	simm.s32 $0x200;
	vm7 =	vgt.f32 v5, $0.0e+00;
	v22 =	vadd.f32 $1.000000000e+00, v17;
	(erf) = vpow2.f32 v24;
	v14 =	vpop (erf)  }
.LBB2_9:
0x80: {  	s30 =	sshra.s32 s29, $0x2;
	p1 =	sne.s32 s29, $0xFE00;
	s29 =	sadd.s32 $0x200, s29;
	v11 =	vsel vm5, v15, v11;
	v15 =	vand.u32 $0x80000000, v12;
	(erf) = vrcp.f32 v23  }
0x81: {  	vm3 =	vmor vm8, vm3;
	v23 =	vld [tilespmem:s30+$0x4170];
	v15 =	vor.u32 v15, v2;
	v24 =	vpop (erf);
	(erf) = vrcp.f32 v22  }
0x82: {  	vm0 =	vmor vm0, vm1;
	v22 =	vld [tilespmem:s30+$0x4110];
	v28 =	vadd.f32 $1.000000000e+00, v24;
	v15 =	vsel vm4, v15, v12  }
0x83: {  	v18 =	vsub.f32 $1.000000000e+00, v18;
	v20 =	vsub.f32 $1.000000000e+00, v20;
	v3 =	vsel vm0, v7, v3;
	v26 =	vld [tilespmem:s30+$0x4130];
	v7 =	vpop (erf)  }
0x84: {  	v27 =	vadd.f32 $1.000000000e+00, v14;
	v12 =	vld [tilespmem:s30+$0x4120];
	v7 =	vmul.f32 v7, v21;
	(erf) = vrcp.f32 v28  }
0x85: {  	v29 =	vor.u32 v10, v2;
	vm0 =	vmor vm7, vm6;
	v21 =	vld [tilespmem:s30+$0x4150];
	v25 =	vpop (erf)  }
0x86: {  	v5 =	vsel vm0, v29, v5;
	v28 =	vld [tilespmem:s30+$0x4140];
	v18 =	vmul.f32 v25, v18;
	(erf) = vrcp.f32 v27;
	v10 =	vpop (erf)  }
0x87: {  	v19 =	vsub.f32 $1.000000000e+00, v19;
	v10 =	vmul.f32 v10, v20;
	v20 =	vmul.f32 v7, v3  }
0x88: {  	v25 =	vmul.f32 v18, v16;
	v16 =	vpop (erf)  }
0x89: {  	v17 =	vsub.f32 $1.000000000e+00, v17;
	v18 =	vadd.f32 $1.000000000e+00, v16;
	v5 =	vmul.f32 v10, v5;
	[tilespmem:s28+$0x170] =	vst v20;
	v3 =	vpop (erf)  }
0x8a: {  	v10 =	vld [tilespmem:s30+$0x170];
	v3 =	vmul.f32 v3, v19;
	[tilespmem:s28+$0x140] =	vst v25;
	v7 =	vpop (erf)  }
0x8b: {  	v13 =	vor.u32 v13, v2;
	v7 =	vmul.f32 v7, v17;
	[tilespmem:s28+$0x160] =	vst v5;
	(erf) = vrcp.f32 v18  }
0x8c: {  	v17 =	vsub.f32 $1.000000000e+00, v24;
	v18 =	vor.u32 v9, v2;
	v5 =	vld [tilespmem:s30+$0x140];
	v3 =	vmul.f32 v3, v8  }
0x8d: {  	vm0 =	vlt.f32 v6, $0.0e+00;
	v4 =	vsel vm3, v18, v4;
	v9 =	vld [tilespmem:s30+$0x4160];
	v19 =	vmul.f32 v7, v11;
	v8 =	vpop (erf)  }
0x8e: {  	v14 =	vsub.f32 $1.000000000e+00, v14;
	vm0 =	vmor vm2, vm0;
	v11 =	vld [tilespmem:s30+$0x160];
	v8 =	vmul.f32 v8, v17;
	[tilespmem:s28+$0x130] =	vst v3  }
0x8f: {  	v6 =	vsel vm0, v13, v6;
	v3 =	vadd.f32 v23, v10;
	[tilespmem:s28+$0x110] =	vst v19;
	v7 =	vpop (erf)  }
0x90: {  	v10 =	vld [tilespmem:s30+$0x130];
	v6 =	vmul.f32 v8, v6;
	v7 =	vmul.f32 v7, v14  }
0x91: {  	v8 =	vld [tilespmem:s30+$0x110];
	v14 =	vadd.f32 v28, v5;
	v13 =	vand.u32 $0x80000000, v3;
	vm0 =	vgt.f32 v3, $0.0e+00  }
0x92: {  	v17 =	vand.u32 $0x7FFFFFFF, v3;
	vm1 =	vlt.f32 v3, $0.0e+00;
	[tilespmem:s28+$0x100] =	vst v6;
	v18 =	vmul.f32 v7, v4  }
0x93: {  	v6 =	vand.u32 $0x7FFFFFFF, v14;
	v5 =	vadd.f32 v9, v11;
	v9 =	vmul.f32 $-2.000000000e+00, v17  }
0x94: {  	v7 =	vor.u32 v13, v2;
	v13 =	vsub.f32 $1.000000000e+00, v16;
	v6 =	vmul.f32 $-2.000000000e+00, v6;
	[tilespmem:s28+$0x150] =	vst v18;
	v4 =	vpop (erf)  }
0x95: {  	v16 =	vadd.f32 v26, v10;
	v17 =	vld [tilespmem:s30+$0x150];
	v10 =	vand.u32 $0x7FFFFFFF, v5;
	v9 =	vmul.f32 $1.442695020e+00, v9  }
0x96: {  	v4 =	vmul.f32 v4, v13;
	v11 =	vadd.f32 v22, v8;
	v8 =	vmul.f32 $-2.000000000e+00, v10  }
0x97: {  	v10 =	vand.u32 $0x80000000, v5;
	v13 =	vld [tilespmem:s30+$0x100];
	v18 =	vand.u32 $0x7FFFFFFF, v16;
	vm2 =	vlt.f32 v16, $0.0e+00  }
0x98: {  	v19 =	vld [tilespmem:s30+$0x4100];
	v20 =	vand.u32 $0x7FFFFFFF, v11;
	v18 =	vmul.f32 $-2.000000000e+00, v18;
	(erf) = vpow2.f32 v9  }
0x99: {  	v6 =	vmul.f32 $1.442695020e+00, v6;
	v9 =	vand.u32 $0x80000000, v16;
	v22 =	vmul.f32 $1.442695020e+00, v8  }
0x9a: {  	vm3 =	vgt.f32 v16, $0.0e+00;
	v15 =	vmul.f32 v4, v15;
	v8 =	vmul.f32 $-2.000000000e+00, v20  }
0x9b: {  	v9 =	vor.u32 v9, v2;
	v4 =	vadd.f32 v21, v17;
	(erf) = vpow2.f32 v6  }
0x9c: {  	vm2 =	vmor vm3, vm2;
	v18 =	vmul.f32 $1.442695020e+00, v18;
	v17 =	vmul.f32 $1.442695020e+00, v8;
	[tilespmem:s28+$0x120] =	vst v15;
	s28 =	smov.u32 s30  }
0x9d: {  	v8 =	vsel vm2, v9, v16;
	v9 =	vand.u32 $0x7FFFFFFF, v4;
	v6 =	vadd.f32 v19, v13;
	v13 =	vld [tilespmem:s28+$0x120]  }
0x9e: {  	v16 =	vmul.f32 $-2.000000000e+00, v9;
	v9 =	vand.u32 $0x80000000, v4;
	(erf) = vpow2.f32 v22  }
0x9f: {  	v15 =	vand.u32 $0x80000000, v11;
	v19 =	vand.u32 $0x7FFFFFFF, v6;
	(erf) = vpow2.f32 v18  }
0xa0: {  	vm2 =	vlt.f32 v11, $0.0e+00;
	v15 =	vor.u32 v15, v2;
	(erf) = vpow2.f32 v17  }
0xa1: {  	vm3 =	vgt.f32 v11, $0.0e+00;
	v16 =	vmul.f32 $1.442695020e+00, v16;
	v17 =	vmul.f32 $-2.000000000e+00, v19;
	v21 =	vpop (erf)  }
0xa2: {  	vm5 =	vmor vm3, vm2;
	v12 =	vadd.f32 v12, v13;
	v19 =	vadd.f32 $1.000000000e+00, v21  }
0xa3: {  	vm3 =	vlt.f32 v4, $0.0e+00;
	v13 =	vmul.f32 $1.442695020e+00, v17;
	(erf) = vpow2.f32 v16  }
0xa4: {  	vm4 =	vgt.f32 v14, $0.0e+00;
	v16 =	vand.u32 $0x7FFFFFFF, v12;
	vm2 =	vlt.f32 v12, $0.0e+00;
	v18 =	vpop (erf)  }
0xa5: {  	v16 =	vmul.f32 $-2.000000000e+00, v16;
	v22 =	vadd.f32 $1.000000000e+00, v18;
	(erf) = vpow2.f32 v13  }
0xa6: {  	v17 =	vand.u32 $0x80000000, v14;
	vm6 =	vgt.f32 v12, $0.0e+00;
	v13 =	vand.u32 $0x80000000, v6  }
0xa7: {  	vm7 =	vlt.f32 v14, $0.0e+00;
	v24 =	vmul.f32 $1.442695020e+00, v16;
	v20 =	vpop (erf);
	(erf) = vrcp.f32 v19  }
.Ltmp4:
0xa8: {  	vm7 =	vmor vm4, vm7;
	v16 =	vor.u32 v17, v2;
	v25 =	vadd.f32 $1.000000000e+00, v20;
	v19 =	vpop (erf);
	(pc) =	sbr.rel @p1 .LBB2_9-.Ltmp4, $4  }
0xa9: {  	vm4 =	vmor vm6, vm2;
	v16 =	vsel vm7, v16, v14;
	v17 =	vpop (erf);
	(erf) = vrcp.f32 v22  }
0xaa: {  	v23 =	vadd.f32 $1.000000000e+00, v19;
	v22 =	vadd.f32 $1.000000000e+00, v17;
	(erf) = vrcp.f32 v25  }
0xab: {  	vm8 =	vgt.f32 v4, $0.0e+00;
	vm2 =	vgt.f32 v6, $0.0e+00;
	vm6 =	vlt.f32 v5, $0.0e+00  }
0xac: {  	v21 =	vsub.f32 $1.000000000e+00, v21;
	vm7 =	vgt.f32 v5, $0.0e+00;
	(erf) = vpow2.f32 v24;
	v14 =	vpop (erf)  }
0xad: {  	_ =	sdelay $0x3  }
0xae: {  	v24 =	vpop (erf)  }
0xaf: {  	v39 =	vpop (erf)  }
0xb0: {  	v25 =	vpop (erf)  }
0xb1: {  	(erf) = vrcp.f32 v23;
	v40 =	vadd.f32 $1.000000000e+00, v24;
	v26 =	vpop (erf)  }
0xb2: {  	v11 =	vsel vm5, v15, v11;
	v41 =	vadd.f32 $1.000000000e+00, v14;
	(erf) = vrcp.f32 v22;
	v27 =	vpop (erf)  }
0xb3: {  	vm0 =	vmor vm0, vm1;
	(erf) = vrcp.f32 v40;
	v42 =	vadd.f32 $1.000000000e+00, v27  }
0xb4: {  	v43 =	vsub.f32 $1.000000000e+00, v18;
	v45 =	vand.u32 $0x80000000, v12;
	(erf) = vrcp.f32 v41  }
0xb5: {  	v20 =	vsub.f32 $1.000000000e+00, v20;
	v10 =	vor.u32 v10, v2;
	(erf) = vrcp.f32 v42  }
0xb6: {  	vm13 =	vmor vm7, vm6;
	v19 =	vsub.f32 $1.000000000e+00, v19;
	vm14 =	vmor vm8, vm3  }
0xb7: {  	v48 =	vsub.f32 $1.000000000e+00, v17;
	v13 =	vor.u32 v13, v2;
	vm15 =	vlt.f32 v6, $0.0e+00  }
0xb8: {  	v53 =	vsub.f32 $1.000000000e+00, v14;
	v3 =	vsel vm0, v7, v3;
	v44 =	vmul.f32 v39, v21  }
0xb9: {  	v18 =	vor.u32 v45, v2;
	v5 =	vsel vm13, v10, v5;
	v7 =	vmul.f32 v25, v43  }
0xba: {  	vm0 =	vmor vm2, vm15;
	v3 =	vmul.f32 v44, v3;
	v46 =	vmul.f32 v26, v20;
	v47 =	vpop (erf)  }
0xbb: {  	v51 =	vsub.f32 $1.000000000e+00, v24;
	v7 =	vmul.f32 v7, v16;
	v49 =	vmul.f32 v47, v19;
	v50 =	vpop (erf)  }
0xbc: {  	v58 =	vsel vm0, v13, v6;
	[tilespmem:s28+$0x170] =	vst v3;
	v5 =	vmul.f32 v46, v5;
	v10 =	vmul.f32 v50, v48;
	v52 =	vpop (erf)  }
0xbd: {  	v56 =	vsub.f32 $1.000000000e+00, v27;
	[tilespmem:s28+$0x140] =	vst v7;
	v8 =	vmul.f32 v49, v8;
	v54 =	vmul.f32 v52, v51;
	v55 =	vpop (erf)  }
0xbe: {  	v3 =	vor.u32 v9, v2;
	[tilespmem:s28+$0x160] =	vst v5;
	v57 =	vmul.f32 v10, v11;
	v9 =	vmul.f32 v55, v53;
	v59 =	vpop (erf)  }
0xbf: {  	v3 =	vsel vm14, v3, v4;
	[tilespmem:s28+$0x130] =	vst v8;
	v60 =	vmul.f32 v54, v58;
	v61 =	vmul.f32 v59, v56  }
0xc0: {  	v62 =	vsel vm4, v18, v12;
	[tilespmem:s28+$0x110] =	vst v57;
	v3 =	vmul.f32 v9, v3  }
0xc1: {  	s26 =	sadd.s32 $0x1, s26;
	[tilespmem:s28+$0x100] =	vst v60;
	v63 =	vmul.f32 v61, v62  }
0xc2: {  	p1 =	sne.s32 s26, s11;
	[tilespmem:s28+$0x150] =	vst v3  }
.Ltmp5:
0xc3: {  	[tilespmem:s28+$0x120] =	vst v63;
	(pc) =	sbr.rel @p1 .LBB2_8-.Ltmp5, $4  }
0xc4: {  	[spmem:s2] =	stream.indirect.scatter.add.f32 [tilespmem:s15], [sflag:$0x5], $0x80, s17, s17, $0xb8;
	[tilespmem:$0x1E090] =	vst v63  }
0xc5: {  	_ =	swait.ge [sflag:s16], $0x4000  }
0xc6: {  	[sflag:s16] =	ssyncset.done $0x0  }
0xc7: {  	[sflag:s16] =	ssyncadd.s32 $0xFFFFC000  }
.Ltmp6:
0xc8: {  	(pc) =	sbr.rel @!p0 .LBB2_13-.Ltmp6, $4  }
0xc9: {  	s25 =	sshll.u32 s3, $0x6;
	[bflag:$0x0] =	sbarrier.arrive $0xFFFF  }
0xca: {  	s26 =	sshrl.u32 s13, $0x3;
	s28 =	sadd.s32 $0x28000, s13;
	s25 =	sor.u32 $0x1C05, s25  }
0xcb: {  	[hbm:s14], [sflag:s25] =	dma.local [spmem:s26], $0x500  }
0xcc: {  	s29 =	smov.u32 s14;
	s26 =	sadd.s32 $0xFFFFFFFF, s8;
	_ =	swait.ge [sflag:s16], $0x500  }
.LBB2_12:
0xcd: {  	[sflag:s16] =	ssyncset.done $0x0;
	s29 =	sadd.s32 $0x5000, s29;
	p0 =	sne.s32 s26, $0x1  }
.Ltmp7:
0xce: {  	s30 =	sshrl.u32 s28, $0x3;
	[sflag:s16] =	ssyncadd.s32 $0xFFFFFB00;
	(pc) =	sbr.rel @p0 .LBB2_12-.Ltmp7, $3  }
0xcf: {  	[hbm:s29], [sflag:s25] =	dma.local [spmem:s30], $0x500  }
0xd0: {  	s26 =	sadd.s32 $0xFFFFFFFF, s26;
	_ =	sdelay $0x1  }
0xd1: {  	s28 =	sadd.s32 $0x28000, s28;
	_ =	swait.ge [sflag:s16], $0x500  }
.LBB2_13:
0xd2: {  	s24 =	sadd.s32 $0x1, s24  }
0xd3: {  	[sflag:s16] =	ssyncset.done $0x0;
	p0 =	sne.s32 s24, s12  }
.Ltmp8:
0xd4: {  	[sflag:s16] =	ssyncadd.s32 $0xFFFFFB00;
	(pc) =	sbr.rel @p0 .LBB2_1-.Ltmp8, $4  }
0xd5: {  	[hbm4b:s10+s4] =	stream.linear.scatter [tilespmem:s21], [sflag:$0x5], $0x2710, $0x38;
	[tilespmem:$0x1E090] =	vst v63  }
0xd6: {  	_ =	swait.ge [sflag:s16], $0x2710  }
0xd7: {  	[sflag:s16] =	ssyncset.done $0x0  }
0xd8: {  	[sflag:s16] =	ssyncadd.s32 $0xFFFFD8F0  }
0xd9: {  	_ =	sfence.sel $0x180000  }
0xda: {  	[bflag:$0x0] =	sbarrier.arrive $0xFFFF  }
0xdb: {  	p0 =	sne.s32 s3, $0x0;
	_ =	strace $0x90000047  }
0xdc: {  	s0 =	sadd.s32 @!p0 $0x100000, s0;
	[bflag:$0x2] =	sbarrier.arrive $0xFFFF  }
0xdd: {  	[sflag:s0] =	ssyncadd.tile.s32 @!p0 $0x1;
	_ =	shalt  }
.Lfunc_end2:
_tile_overlayer_lowered:
.L_overlay_start_2:
0xde: {  	(tag) =	ssettag $0x2  }
0xdf: {  	s0 =	rddreg [dreg:$0x0];
	s2 =	stileid.u32  }
0xe0: {  	s1 =	rddreg [dreg:$0x1];
	p0 =	sne.s32 s2, $0x0  }
0xe1: {  	s3 =	rddreg [dreg:$0x2];
	[bflag:$0x3] =	sbarrier.arrive $0xFFFF;
	s2 =	simm.s32 @!p0 $0x1C05  }
0xe2: {  	[timem:s3], [sflag:s2] =	dma.local @!p0 [hbm:s0], s1  }
0xe3: {  	s0 =	simm.s32 @!p0 $0x5  }
0xe4: {  	_ =	swait.ge @!p0 [sflag:s0], s1  }
0xe5: {  	s1 =	ssub.s32 @!p0 $0x0, s1;
	[sflag:s0] =	ssyncset.done @!p0 $0x0  }
0xe6: {  	[sflag:s0] =	ssyncadd.s32 @!p0 s1  }
0xe7: {  	[bflag:$0x3] =	sbarrier.arrive $0xFFFF  }
0xe8: {  	_ =	shalt  }

</sc_bundles>
